<compile_context>
chip_gen: v7x
topology: tpu7x:2x2x1
jax: 0.10.2.dev20260603
libtpu: 0.0.44.dev20260713+nightly
codegen_flags: <defaults>
</compile_context>

<pallas_src>
import functools

import jax
import jax.numpy as jnp
from jax import lax
from jax.experimental import pallas as pl
from jax.experimental.pallas import tpu as pltpu
from jax.experimental.pallas import tpu_sc as plsc

_N, _D, _B, _S, _T = 16384, 256, 16, 512, 32768
_NC, _NS = 2, 16
_NW = _NC * _NS
_TPW = _T // _NW
_CH = 128
_NCH = _TPW // _CH
_K = 3
_L = 16


def _sc_body(x_hbm, nb_hbm, sm_hbm, sb_hbm, bl_hbm,
             xs_hbm, nm_hbm,
             nb_v, bl_v, sm_v, sb_v, idx_v, cum_v,
             bufs, gsems, osems, nmsem):
    cid = lax.axis_index("c")
    sid = lax.axis_index("s")
    wid = sid * _NC + cid
    base = wid * _TPW

    nb_cp = pltpu.make_async_copy(nb_hbm, nb_v, gsems.at[0])
    nb_cp.start()
    bl_cp = pltpu.make_async_copy(bl_hbm, bl_v, gsems.at[1])
    bl_cp.start()
    sm_cp = pltpu.make_async_copy(sm_hbm.at[pl.ds(base, _TPW)], sm_v,
                                  gsems.at[2])
    sm_cp.start()
    sb_cp = pltpu.make_async_copy(sb_hbm.at[pl.ds(base, _TPW)], sb_v, osems.at[0])
    sb_cp.start()
    nb_cp.wait()

    bvec = lax.iota(jnp.int32, _L)

    def _bs_step(_, carry):
        lo, hi = carry
        active = lo < hi
        mid = (lo + hi) >> 1
        midc = jnp.minimum(mid, _N - 1)
        v = plsc.load_gather(nb_v, [midc])
        less = v < bvec
        lo = jnp.where(jnp.logical_and(active, less), mid + 1, lo)
        hi = jnp.where(jnp.logical_and(active, jnp.logical_not(less)), mid, hi)
        return lo, hi

    lo, _ = lax.fori_loop(0, 15,
                          _bs_step,
                          (jnp.zeros((_L,), jnp.int32),
                           jnp.full((_L,), _N, jnp.int32)))
    cum_v[...] = lo
    bl_cp.wait()
    sm_cp.wait()
    sb_cp.wait()

    def _fill_row(cb):
        def _one(jj, _):
            off = cb * _CH + jj * _L
            sbv = sb_v[pl.ds(off, _L)]
            g = plsc.load_gather(bl_v, [sbv])
            c = plsc.load_gather(cum_v, [g])
            nm = jnp.minimum(sm_v[pl.ds(off, _L)] + c, _N - 1)
            idx_v[pl.ds(off, _L)] = nm
            return 0
        lax.fori_loop(0, _CH // _L, _one, 0)

    gops = [None] * _NCH
    oops = [None] * _NCH
    for i in range(_K - 1):
        _fill_row(i)
        gops[i] = pltpu.make_async_copy(
            x_hbm.at[idx_v.at[pl.ds(i * _CH, _CH)]], bufs.at[i % _K],
            gsems.at[i % _K])
        gops[i].start()
    for cb in range(_NCH):
        gops[cb].wait()
        oops[cb] = pltpu.make_async_copy(
            bufs.at[cb % _K], xs_hbm.at[pl.ds(base + cb * _CH, _CH)],
            osems.at[cb % _K])
        oops[cb].start()
        nxt = cb + _K - 1
        if nxt < _NCH:
            _fill_row(nxt)
            if nxt - _K >= 0:
                oops[nxt - _K].wait()
            gops[nxt] = pltpu.make_async_copy(
                x_hbm.at[idx_v.at[pl.ds(nxt * _CH, _CH)]], bufs.at[nxt % _K],
                gsems.at[nxt % _K])
            gops[nxt].start()
    nm_op = pltpu.make_async_copy(idx_v, nm_hbm.at[pl.ds(base, _TPW)], nmsem)
    nm_op.start()
    for cb in range(max(0, _NCH - _K), _NCH):
        if oops[cb] is not None:
            oops[cb].wait()
    nm_op.wait()


_sc_parse = functools.partial(
    pl.kernel,
    out_type=(
        jax.ShapeDtypeStruct((_T, _D), jnp.float32),
        jax.ShapeDtypeStruct((_T,), jnp.int32),
    ),
    mesh=plsc.VectorSubcoreMesh(core_axis_name="c", subcore_axis_name="s"),
    compiler_params=pltpu.CompilerParams(needs_layout_passes=False),
    scratch_types=[
        pltpu.VMEM((_N,), jnp.int32),
        pltpu.VMEM((_S,), jnp.int32),
        pltpu.VMEM((_TPW,), jnp.int32),
        pltpu.VMEM((_TPW,), jnp.int32),
        pltpu.VMEM((_TPW,), jnp.int32),
        pltpu.VMEM((_L,), jnp.int32),
        pltpu.VMEM((_K, _CH, _D), jnp.float32),
        pltpu.SemaphoreType.DMA((_K,)),
        pltpu.SemaphoreType.DMA((_K,)),
        pltpu.SemaphoreType.DMA,
    ],
)(_sc_body)


@jax.jit
def kernel(x, node_batch, sub_mapping, sub_batch, belong):
    nb = node_batch.astype(jnp.int32)
    sm = sub_mapping.astype(jnp.int32)
    sb = sub_batch.astype(jnp.int32)
    bl = belong.astype(jnp.int32)
    x_sub, nm = _sc_parse(x, nb, sm, sb, bl)
    return x_sub, nm, bl

# --- scband reference (transcript-rebuilt; emitter-appended) ---
"""Pipeline reference for scband-simple-parsing-module-24335284699143 (READ-ONLY COPY).

The authoritative reference and input builder live on the scoring server;
editing this copy changes nothing except your own understanding.
"""

import jax, jax.numpy as jnp
import numpy as np

N, D, B, S, T = 16384, 256, 16, 512, 32768

def setup_inputs(seed: int = 0) -> dict:
    key = jax.random.key(seed)
    k1, k2, k3, k4, k5 = jax.random.split(key, 5)
    x = jax.random.normal(k1, (N, D), dtype=jnp.float32)
    # graph assignment per node (sorted, like batch.batch in PyG)
    node_batch = jnp.sort(jax.random.randint(k2, (N,), 0, B, dtype=jnp.int64))
    # flat concatenated per-subgraph local node indices (Data.mapping concatenated)
    sub_mapping = jax.random.randint(k3, (T,), 0, 512, dtype=jnp.int64)
    # which subgraph each flat mapping entry belongs to (batch_subs.batch)
    sub_batch = jnp.sort(jax.random.randint(k4, (T,), 0, S, dtype=jnp.int64))
    # which graph in the batch each subgraph belongs to (batch_belong_list)
    belong = jnp.sort(jax.random.randint(k5, (S,), 0, B, dtype=jnp.int64))
    return {"x": x, "node_batch": node_batch, "sub_mapping": sub_mapping,
            "sub_batch": sub_batch, "belong": belong}

def reference(x, node_batch, sub_mapping, sub_batch, belong):
    # n_nodes_graph = scatter(ones, batch.batch)
    n_nodes_graph = jax.ops.segment_sum(jnp.ones_like(node_batch), node_batch, num_segments=B)
    # cum_n_nodes = cumsum with leading zero (exclusive prefix sum), as in torch_geometric.utils.cumsum
    cum_n_nodes = jnp.concatenate([jnp.zeros((1,), dtype=n_nodes_graph.dtype),
                                   jnp.cumsum(n_nodes_graph)])
    # new_mapping = batch_subs.mapping + cum_n_nodes[batch_belong_list[batch_subs.batch]]
    new_mapping = sub_mapping + cum_n_nodes[belong[sub_batch]]
    new_mapping = jnp.clip(new_mapping, 0, x.shape[0] - 1)
    # batch_subs.x is the concatenation of g.x[nodes_sub] over subgraphs -> gather of node features
    x_sub = jnp.take(x, new_mapping, axis=0)
    return (x_sub, new_mapping, belong)

if __name__ == "__main__":
    import jax
    _d = setup_inputs()
    print(jax.jit(kernel)(*tuple(_d.values())))

</pallas_src>

<mosaic_0001>
#map = affine_map<(d0, d1) -> (0, 0)>
#map1 = affine_map<(d0, d1) -> (0)>
module attributes {stable_mosaic.version = 14 : i64} {
  func.func @_sc_body(%arg0: i32, %arg1: i32, %arg2: memref<16384x256xf32, #tpu.memory_space<hbm>>, %arg3: memref<16384xi32, #tpu.memory_space<hbm>>, %arg4: memref<32768xi32, #tpu.memory_space<hbm>>, %arg5: memref<32768xi32, #tpu.memory_space<hbm>>, %arg6: memref<512xi32, #tpu.memory_space<hbm>>, %arg7: memref<32768x256xf32, #tpu.memory_space<hbm>>, %arg8: memref<32768xi32, #tpu.memory_space<hbm>>, %arg9: memref<16384xi32, #tpu.memory_space<vmem>>, %arg10: memref<512xi32, #tpu.memory_space<vmem>>, %arg11: memref<1024xi32, #tpu.memory_space<vmem>>, %arg12: memref<1024xi32, #tpu.memory_space<vmem>>, %arg13: memref<1024xi32, #tpu.memory_space<vmem>>, %arg14: memref<16xi32, #tpu.memory_space<vmem>>, %arg15: memref<3x128x256xf32, #tpu.memory_space<vmem>>, %arg16: memref<3x!tpu.dma_semaphore, #tpu.memory_space<semaphore_mem>>, %arg17: memref<3x!tpu.dma_semaphore, #tpu.memory_space<semaphore_mem>>, %arg18: memref<!tpu.dma_semaphore, #tpu.memory_space<semaphore_mem>>) attributes {dimension_semantics = [#tpu.dimension_semantics<core_parallel>, #tpu.dimension_semantics<subcore_parallel>], iteration_bounds = array<i64: 2, 16>, scalar_prefetch = 0 : i64, scratch_operands = 10 : i64, tpu.core_type = #tpu.core_type<sc_vector_subcore>, window_params = [{transform_indices = #map}, {transform_indices = #map1}, {transform_indices = #map1}, {transform_indices = #map1}, {transform_indices = #map1}, {transform_indices = #map}, {transform_indices = #map1}]} {
    %mul3A = arith.constant 2 : i32
    %mul3A_0 = arith.muli %arg1, %mul3A : i32
    %add3A = arith.addi %mul3A_0, %arg0 : i32
    %mul3A_1 = arith.constant 1024 : i32
    %mul3A_2 = arith.muli %add3A, %mul3A_1 : i32
    %dma_start3A = arith.constant 0 : i32
    %dma_start3A_3 = tpu.memref_slice %arg16[%dma_start3A] : memref<3x!tpu.dma_semaphore, #tpu.memory_space<semaphore_mem>> -> memref<1x!tpu.dma_semaphore, #tpu.memory_space<semaphore_mem>>
    %dma_start3A_4 = tpu.memref_squeeze %dma_start3A_3 : memref<1x!tpu.dma_semaphore, #tpu.memory_space<semaphore_mem>> -> memref<!tpu.dma_semaphore, #tpu.memory_space<semaphore_mem>>
    tpu.enqueue_dma source(%arg3 : memref<16384xi32, #tpu.memory_space<hbm>>) target(%arg9 : memref<16384xi32, #tpu.memory_space<vmem>>) target_semaphore(%dma_start3A_4 : memref<!tpu.dma_semaphore, #tpu.memory_space<semaphore_mem>>)
    %dma_start3A_5 = arith.constant 1 : i32
    %dma_start3A_6 = tpu.memref_slice %arg16[%dma_start3A_5] : memref<3x!tpu.dma_semaphore, #tpu.memory_space<semaphore_mem>> -> memref<1x!tpu.dma_semaphore, #tpu.memory_space<semaphore_mem>>
    %dma_start3A_7 = tpu.memref_squeeze %dma_start3A_6 : memref<1x!tpu.dma_semaphore, #tpu.memory_space<semaphore_mem>> -> memref<!tpu.dma_semaphore, #tpu.memory_space<semaphore_mem>>
    tpu.enqueue_dma source(%arg6 : memref<512xi32, #tpu.memory_space<hbm>>) target(%arg10 : memref<512xi32, #tpu.memory_space<vmem>>) target_semaphore(%dma_start3A_7 : memref<!tpu.dma_semaphore, #tpu.memory_space<semaphore_mem>>)
    %dma_start3A_8 = arith.constant 2 : i32
    %dma_start3A_9 = tpu.memref_slice %arg4[%mul3A_2] : memref<32768xi32, #tpu.memory_space<hbm>> -> memref<1024xi32, #tpu.memory_space<hbm>>
    %dma_start3A_10 = tpu.memref_slice %arg16[%dma_start3A_8] : memref<3x!tpu.dma_semaphore, #tpu.memory_space<semaphore_mem>> -> memref<1x!tpu.dma_semaphore, #tpu.memory_space<semaphore_mem>>
    %dma_start3A_11 = tpu.memref_squeeze %dma_start3A_10 : memref<1x!tpu.dma_semaphore, #tpu.memory_space<semaphore_mem>> -> memref<!tpu.dma_semaphore, #tpu.memory_space<semaphore_mem>>
    %dma_start3A_12 = tpu.memref_slice %arg4[%mul3A_2] : memref<32768xi32, #tpu.memory_space<hbm>> -> memref<1024xi32, #tpu.memory_space<hbm>>
    tpu.enqueue_dma source(%dma_start3A_12 : memref<1024xi32, #tpu.memory_space<hbm>>) target(%arg11 : memref<1024xi32, #tpu.memory_space<vmem>>) target_semaphore(%dma_start3A_11 : memref<!tpu.dma_semaphore, #tpu.memory_space<semaphore_mem>>)
    %dma_start3A_13 = arith.constant 0 : i32
    %dma_start3A_14 = tpu.memref_slice %arg5[%mul3A_2] : memref<32768xi32, #tpu.memory_space<hbm>> -> memref<1024xi32, #tpu.memory_space<hbm>>
    %dma_start3A_15 = tpu.memref_slice %arg17[%dma_start3A_13] : memref<3x!tpu.dma_semaphore, #tpu.memory_space<semaphore_mem>> -> memref<1x!tpu.dma_semaphore, #tpu.memory_space<semaphore_mem>>
    %dma_start3A_16 = tpu.memref_squeeze %dma_start3A_15 : memref<1x!tpu.dma_semaphore, #tpu.memory_space<semaphore_mem>> -> memref<!tpu.dma_semaphore, #tpu.memory_space<semaphore_mem>>
    %dma_start3A_17 = tpu.memref_slice %arg5[%mul3A_2] : memref<32768xi32, #tpu.memory_space<hbm>> -> memref<1024xi32, #tpu.memory_space<hbm>>
    tpu.enqueue_dma source(%dma_start3A_17 : memref<1024xi32, #tpu.memory_space<hbm>>) target(%arg12 : memref<1024xi32, #tpu.memory_space<vmem>>) target_semaphore(%dma_start3A_16 : memref<!tpu.dma_semaphore, #tpu.memory_space<semaphore_mem>>)
    %dma_wait3A = arith.constant 0 : i32
    %dma_wait3A_18 = tpu.memref_slice %arg16[%dma_wait3A] : memref<3x!tpu.dma_semaphore, #tpu.memory_space<semaphore_mem>> -> memref<1x!tpu.dma_semaphore, #tpu.memory_space<semaphore_mem>>
    %dma_wait3A_19 = tpu.memref_squeeze %dma_wait3A_18 : memref<1x!tpu.dma_semaphore, #tpu.memory_space<semaphore_mem>> -> memref<!tpu.dma_semaphore, #tpu.memory_space<semaphore_mem>>
    tpu.wait_dma2 semaphore(%dma_wait3A_19 : memref<!tpu.dma_semaphore, #tpu.memory_space<semaphore_mem>>) src(%arg3 : memref<16384xi32, #tpu.memory_space<hbm>>) dst(%arg9 : memref<16384xi32, #tpu.memory_space<vmem>>)
    %iota3A = tpu.iota {dimensions = array<i32: 0>} : vector<16xi32>
    %broadcast_in_dim3A = arith.constant 0 : i32
    %broadcast_in_dim3A_20 = vector.broadcast %broadcast_in_dim3A : i32 to vector<16xi32>
    %broadcast_in_dim3A_21 = arith.constant 16384 : i32
    %broadcast_in_dim3A_22 = vector.broadcast %broadcast_in_dim3A_21 : i32 to vector<16xi32>
    %scan3A = arith.constant 0 : i32
    %scan3A_23 = arith.constant 15 : i32
    %scan3A_24 = arith.addi %scan3A, %scan3A_23 : i32
    %scan3A_25 = arith.constant 1 : i32
    %scan3A_26:2 = scf.for %scan3A_582 = %scan3A to %scan3A_24 step %scan3A_25 iter_args(%scan3A_583 = %broadcast_in_dim3A_20, %scan3A_584 = %broadcast_in_dim3A_22) -> (vector<16xi32>, vector<16xi32>)  : i32 {
      %lt3A = arith.cmpi slt, %scan3A_583, %scan3A_584 : vector<16xi32>
      %add3A_585 = arith.addi %scan3A_583, %scan3A_584 : vector<16xi32>
      %shift_right_arithmetic3A = arith.constant 1 : i32
      %shift_right_arithmetic3A_586 = vector.broadcast %shift_right_arithmetic3A : i32 to vector<16xi32>
      %shift_right_arithmetic3A_587 = arith.shrsi %add3A_585, %shift_right_arithmetic3A_586 : vector<16xi32>
      %min3A = arith.constant 16383 : i32
      %min3A_588 = vector.broadcast %min3A : i32 to vector<16xi32>
      %min3A_589 = arith.minsi %shift_right_arithmetic3A_587, %min3A_588 : vector<16xi32>
      %gather3A = tpu.vector_load_idx %arg9[%min3A_589] : memref<16384xi32, #tpu.memory_space<vmem>>[vector<16xi32>], vector<16xi32>,
      %lt3A_590 = arith.cmpi slt, %gather3A, %iota3A : vector<16xi32>
      %and3A = arith.andi %lt3A, %lt3A_590 : vector<16xi1>
      %add3A_591 = arith.constant 1 : i32
      %add3A_592 = vector.broadcast %add3A_591 : i32 to vector<16xi32>
      %add3A_593 = arith.addi %shift_right_arithmetic3A_587, %add3A_592 : vector<16xi32>
      %select_n3A = arith.select %and3A, %add3A_593, %scan3A_583 : vector<16xi1>, vector<16xi32>
      %not3A = arith.constant dense<true> : vector<16xi1>
      %not3A_594 = arith.xori %lt3A_590, %not3A : vector<16xi1>
      %and3A_595 = arith.andi %lt3A, %not3A_594 : vector<16xi1>
      %select_n3A_596 = arith.select %and3A_595, %shift_right_arithmetic3A_587, %scan3A_584 : vector<16xi1>, vector<16xi32>
      scf.yield %select_n3A, %select_n3A_596 : vector<16xi32>, vector<16xi32>
    }
    %scan3A_27 = arith.constant 15 : i32
    %swap3A = arith.constant 0 : index
    %swap3A_28 = tpu.vector_load %arg14[%swap3A] {strides = array<i32>} : memref<16xi32, #tpu.memory_space<vmem>>, vector<16xi32>,
    tpu.vector_store %arg14[%swap3A], %scan3A_26#0 {strides = array<i32>} : memref<16xi32, #tpu.memory_space<vmem>>, vector<16xi32>,
    %dma_wait3A_29 = arith.constant 1 : i32
    %dma_wait3A_30 = tpu.memref_slice %arg16[%dma_wait3A_29] : memref<3x!tpu.dma_semaphore, #tpu.memory_space<semaphore_mem>> -> memref<1x!tpu.dma_semaphore, #tpu.memory_space<semaphore_mem>>
    %dma_wait3A_31 = tpu.memref_squeeze %dma_wait3A_30 : memref<1x!tpu.dma_semaphore, #tpu.memory_space<semaphore_mem>> -> memref<!tpu.dma_semaphore, #tpu.memory_space<semaphore_mem>>
    tpu.wait_dma2 semaphore(%dma_wait3A_31 : memref<!tpu.dma_semaphore, #tpu.memory_space<semaphore_mem>>) src(%arg6 : memref<512xi32, #tpu.memory_space<hbm>>) dst(%arg10 : memref<512xi32, #tpu.memory_space<vmem>>)
    %dma_wait3A_32 = arith.constant 2 : i32
    %dma_wait3A_33 = tpu.memref_slice %arg4[%mul3A_2] : memref<32768xi32, #tpu.memory_space<hbm>> -> memref<1024xi32, #tpu.memory_space<hbm>>
    %dma_wait3A_34 = tpu.memref_slice %arg16[%dma_wait3A_32] : memref<3x!tpu.dma_semaphore, #tpu.memory_space<semaphore_mem>> -> memref<1x!tpu.dma_semaphore, #tpu.memory_space<semaphore_mem>>
    %dma_wait3A_35 = tpu.memref_squeeze %dma_wait3A_34 : memref<1x!tpu.dma_semaphore, #tpu.memory_space<semaphore_mem>> -> memref<!tpu.dma_semaphore, #tpu.memory_space<semaphore_mem>>
    %dma_wait3A_36 = tpu.memref_slice %arg4[%mul3A_2] : memref<32768xi32, #tpu.memory_space<hbm>> -> memref<1024xi32, #tpu.memory_space<hbm>>
    tpu.wait_dma2 semaphore(%dma_wait3A_35 : memref<!tpu.dma_semaphore, #tpu.memory_space<semaphore_mem>>) src(%dma_wait3A_36 : memref<1024xi32, #tpu.memory_space<hbm>>) dst(%arg11 : memref<1024xi32, #tpu.memory_space<vmem>>)
    %dma_wait3A_37 = arith.constant 0 : i32
    %dma_wait3A_38 = tpu.memref_slice %arg5[%mul3A_2] : memref<32768xi32, #tpu.memory_space<hbm>> -> memref<1024xi32, #tpu.memory_space<hbm>>
    %dma_wait3A_39 = tpu.memref_slice %arg17[%dma_wait3A_37] : memref<3x!tpu.dma_semaphore, #tpu.memory_space<semaphore_mem>> -> memref<1x!tpu.dma_semaphore, #tpu.memory_space<semaphore_mem>>
    %dma_wait3A_40 = tpu.memref_squeeze %dma_wait3A_39 : memref<1x!tpu.dma_semaphore, #tpu.memory_space<semaphore_mem>> -> memref<!tpu.dma_semaphore, #tpu.memory_space<semaphore_mem>>
    %dma_wait3A_41 = tpu.memref_slice %arg5[%mul3A_2] : memref<32768xi32, #tpu.memory_space<hbm>> -> memref<1024xi32, #tpu.memory_space<hbm>>
    tpu.wait_dma2 semaphore(%dma_wait3A_40 : memref<!tpu.dma_semaphore, #tpu.memory_space<semaphore_mem>>) src(%dma_wait3A_41 : memref<1024xi32, #tpu.memory_space<hbm>>) dst(%arg12 : memref<1024xi32, #tpu.memory_space<vmem>>)
    %scan3A_42 = arith.constant 0 : i32
    %scan3A_43 = arith.constant 0 : i32
    %scan3A_44 = arith.constant 8 : i32
    %scan3A_45 = arith.addi %scan3A_43, %scan3A_44 : i32
    %scan3A_46 = arith.constant 1 : i32
    %scan3A_47 = scf.for %scan3A_582 = %scan3A_43 to %scan3A_45 step %scan3A_46 iter_args(%scan3A_583 = %scan3A_42) -> (i32)  : i32 {
      %mul3A_584 = arith.constant 16 : i32
      %mul3A_585 = arith.muli %scan3A_582, %mul3A_584 : i32
      %add3A_586 = arith.constant 0 : i32
      %add3A_587 = arith.addi %add3A_586, %mul3A_585 : i32
      %get3A = arith.index_cast %add3A_587 : i32 to index
      %get3A_588 = tpu.vector_load %arg12[%get3A] {strides = array<i32>} : memref<1024xi32, #tpu.memory_space<vmem>>, vector<16xi32>,
      %gather3A = tpu.vector_load_idx %arg10[%get3A_588] : memref<512xi32, #tpu.memory_space<vmem>>[vector<16xi32>], vector<16xi32>,
      %gather3A_589 = tpu.vector_load_idx %arg14[%gather3A] : memref<16xi32, #tpu.memory_space<vmem>>[vector<16xi32>], vector<16xi32>,
      %get3A_590 = arith.index_cast %add3A_587 : i32 to index
      %get3A_591 = tpu.vector_load %arg11[%get3A_590] {strides = array<i32>} : memref<1024xi32, #tpu.memory_space<vmem>>, vector<16xi32>,
      %add3A_592 = arith.addi %get3A_591, %gather3A_589 : vector<16xi32>
      %min3A = arith.constant 16383 : i32
      %min3A_593 = vector.broadcast %min3A : i32 to vector<16xi32>
      %min3A_594 = arith.minsi %add3A_592, %min3A_593 : vector<16xi32>
      %swap3A_595 = arith.index_cast %add3A_587 : i32 to index
      %swap3A_596 = tpu.vector_load %arg13[%swap3A_595] {strides = array<i32>} : memref<1024xi32, #tpu.memory_space<vmem>>, vector<16xi32>,
      tpu.vector_store %arg13[%swap3A_595], %min3A_594 {strides = array<i32>} : memref<1024xi32, #tpu.memory_space<vmem>>, vector<16xi32>,
      %scan3A_597 = arith.constant 0 : i32
      scf.yield %scan3A_597 : i32
    }
    %scan3A_48 = arith.constant 8 : i32
    %dma_start3A_49 = arith.constant 0 : i32
    %dma_start3A_50 = arith.constant 0 : i32
    %dma_start3A_51 = arith.constant 0 : i32
    %dma_start3A_52 = arith.constant 0 : i32
    %dma_start3A_53 = tpu.memref_slice %arg15[%dma_start3A_49, %dma_start3A_51, %dma_start3A_52] : memref<3x128x256xf32, #tpu.memory_space<vmem>> -> memref<1x128x256xf32, #tpu.memory_space<vmem>>
    %dma_start3A_54 = tpu.memref_squeeze %dma_start3A_53 : memref<1x128x256xf32, #tpu.memory_space<vmem>> -> memref<128x256xf32, #tpu.memory_space<vmem>>
    %dma_start3A_55 = arith.constant 0 : i32
    %dma_start3A_56 = tpu.memref_slice %arg13[%dma_start3A_55] : memref<1024xi32, #tpu.memory_space<vmem>> -> memref<128xi32, #tpu.memory_space<vmem>>
    %dma_start3A_57 = arith.constant 0 : i32
    %dma_start3A_58 = arith.constant 0 : i32
    %dma_start3A_59 = tpu.memref_slice %arg2[%dma_start3A_57, %dma_start3A_58] : memref<16384x256xf32, #tpu.memory_space<hbm>> -> memref<16384x256xf32, #tpu.memory_space<hbm>>
    %dma_start3A_60 = tpu.memref_slice %arg16[%dma_start3A_50] : memref<3x!tpu.dma_semaphore, #tpu.memory_space<semaphore_mem>> -> memref<1x!tpu.dma_semaphore, #tpu.memory_space<semaphore_mem>>
    %dma_start3A_61 = tpu.memref_squeeze %dma_start3A_60 : memref<1x!tpu.dma_semaphore, #tpu.memory_space<semaphore_mem>> -> memref<!tpu.dma_semaphore, #tpu.memory_space<semaphore_mem>>
    tpu.enqueue_indirect_dma source(%dma_start3A_59 : memref<16384x256xf32, #tpu.memory_space<hbm>>) target(%dma_start3A_54 : memref<128x256xf32, #tpu.memory_space<vmem>>) offsets(%dma_start3A_56 : memref<128xi32, #tpu.memory_space<vmem>>) semaphore(%dma_start3A_61 : memref<!tpu.dma_semaphore, #tpu.memory_space<semaphore_mem>>)
    %scan3A_62 = arith.constant 0 : i32
    %scan3A_63 = arith.constant 0 : i32
    %scan3A_64 = arith.constant 8 : i32
    %scan3A_65 = arith.addi %scan3A_63, %scan3A_64 : i32
    %scan3A_66 = arith.constant 1 : i32
    %scan3A_67 = scf.for %scan3A_582 = %scan3A_63 to %scan3A_65 step %scan3A_66 iter_args(%scan3A_583 = %scan3A_62) -> (i32)  : i32 {
      %mul3A_584 = arith.constant 16 : i32
      %mul3A_585 = arith.muli %scan3A_582, %mul3A_584 : i32
      %add3A_586 = arith.constant 128 : i32
      %add3A_587 = arith.addi %add3A_586, %mul3A_585 : i32
      %get3A = arith.index_cast %add3A_587 : i32 to index
      %get3A_588 = tpu.vector_load %arg12[%get3A] {strides = array<i32>} : memref<1024xi32, #tpu.memory_space<vmem>>, vector<16xi32>,
      %gather3A = tpu.vector_load_idx %arg10[%get3A_588] : memref<512xi32, #tpu.memory_space<vmem>>[vector<16xi32>], vector<16xi32>,
      %gather3A_589 = tpu.vector_load_idx %arg14[%gather3A] : memref<16xi32, #tpu.memory_space<vmem>>[vector<16xi32>], vector<16xi32>,
      %get3A_590 = arith.index_cast %add3A_587 : i32 to index
      %get3A_591 = tpu.vector_load %arg11[%get3A_590] {strides = array<i32>} : memref<1024xi32, #tpu.memory_space<vmem>>, vector<16xi32>,
      %add3A_592 = arith.addi %get3A_591, %gather3A_589 : vector<16xi32>
      %min3A = arith.constant 16383 : i32
      %min3A_593 = vector.broadcast %min3A : i32 to vector<16xi32>
      %min3A_594 = arith.minsi %add3A_592, %min3A_593 : vector<16xi32>
      %swap3A_595 = arith.index_cast %add3A_587 : i32 to index
      %swap3A_596 = tpu.vector_load %arg13[%swap3A_595] {strides = array<i32>} : memref<1024xi32, #tpu.memory_space<vmem>>, vector<16xi32>,
      tpu.vector_store %arg13[%swap3A_595], %min3A_594 {strides = array<i32>} : memref<1024xi32, #tpu.memory_space<vmem>>, vector<16xi32>,
      %scan3A_597 = arith.constant 0 : i32
      scf.yield %scan3A_597 : i32
    }
    %scan3A_68 = arith.constant 8 : i32
    %dma_start3A_69 = arith.constant 1 : i32
    %dma_start3A_70 = arith.constant 1 : i32
    %dma_start3A_71 = arith.constant 0 : i32
    %dma_start3A_72 = arith.constant 0 : i32
    %dma_start3A_73 = tpu.memref_slice %arg15[%dma_start3A_69, %dma_start3A_71, %dma_start3A_72] : memref<3x128x256xf32, #tpu.memory_space<vmem>> -> memref<1x128x256xf32, #tpu.memory_space<vmem>>
    %dma_start3A_74 = tpu.memref_squeeze %dma_start3A_73 : memref<1x128x256xf32, #tpu.memory_space<vmem>> -> memref<128x256xf32, #tpu.memory_space<vmem>>
    %dma_start3A_75 = arith.constant 128 : i32
    %dma_start3A_76 = tpu.memref_slice %arg13[%dma_start3A_75] : memref<1024xi32, #tpu.memory_space<vmem>> -> memref<128xi32, #tpu.memory_space<vmem>>
    %dma_start3A_77 = arith.constant 0 : i32
    %dma_start3A_78 = arith.constant 0 : i32
    %dma_start3A_79 = tpu.memref_slice %arg2[%dma_start3A_77, %dma_start3A_78] : memref<16384x256xf32, #tpu.memory_space<hbm>> -> memref<16384x256xf32, #tpu.memory_space<hbm>>
    %dma_start3A_80 = tpu.memref_slice %arg16[%dma_start3A_70] : memref<3x!tpu.dma_semaphore, #tpu.memory_space<semaphore_mem>> -> memref<1x!tpu.dma_semaphore, #tpu.memory_space<semaphore_mem>>
    %dma_start3A_81 = tpu.memref_squeeze %dma_start3A_80 : memref<1x!tpu.dma_semaphore, #tpu.memory_space<semaphore_mem>> -> memref<!tpu.dma_semaphore, #tpu.memory_space<semaphore_mem>>
    tpu.enqueue_indirect_dma source(%dma_start3A_79 : memref<16384x256xf32, #tpu.memory_space<hbm>>) target(%dma_start3A_74 : memref<128x256xf32, #tpu.memory_space<vmem>>) offsets(%dma_start3A_76 : memref<128xi32, #tpu.memory_space<vmem>>) semaphore(%dma_start3A_81 : memref<!tpu.dma_semaphore, #tpu.memory_space<semaphore_mem>>)
    %dma_wait3A_82 = arith.constant 0 : i32
    %dma_wait3A_83 = arith.constant 0 : i32
    %dma_wait3A_84 = arith.constant 0 : i32
    %dma_wait3A_85 = arith.constant 0 : i32
    %dma_wait3A_86 = tpu.memref_slice %arg15[%dma_wait3A_82, %dma_wait3A_84, %dma_wait3A_85] : memref<3x128x256xf32, #tpu.memory_space<vmem>> -> memref<1x128x256xf32, #tpu.memory_space<vmem>>
    %dma_wait3A_87 = tpu.memref_squeeze %dma_wait3A_86 : memref<1x128x256xf32, #tpu.memory_space<vmem>> -> memref<128x256xf32, #tpu.memory_space<vmem>>
    %dma_wait3A_88 = arith.constant 0 : i32
    %dma_wait3A_89 = tpu.memref_slice %arg13[%dma_wait3A_88] : memref<1024xi32, #tpu.memory_space<vmem>> -> memref<128xi32, #tpu.memory_space<vmem>>
    %dma_wait3A_90 = arith.constant 0 : i32
    %dma_wait3A_91 = arith.constant 0 : i32
    %dma_wait3A_92 = tpu.memref_slice %arg2[%dma_wait3A_90, %dma_wait3A_91] : memref<16384x256xf32, #tpu.memory_space<hbm>> -> memref<16384x256xf32, #tpu.memory_space<hbm>>
    %dma_wait3A_93 = tpu.memref_slice %arg16[%dma_wait3A_83] : memref<3x!tpu.dma_semaphore, #tpu.memory_space<semaphore_mem>> -> memref<1x!tpu.dma_semaphore, #tpu.memory_space<semaphore_mem>>
    %dma_wait3A_94 = tpu.memref_squeeze %dma_wait3A_93 : memref<1x!tpu.dma_semaphore, #tpu.memory_space<semaphore_mem>> -> memref<!tpu.dma_semaphore, #tpu.memory_space<semaphore_mem>>
    tpu.wait_indirect_dma semaphore(%dma_wait3A_94 : memref<!tpu.dma_semaphore, #tpu.memory_space<semaphore_mem>>) src(%dma_wait3A_92 : memref<16384x256xf32, #tpu.memory_space<hbm>>) dst(%dma_wait3A_87 : memref<128x256xf32, #tpu.memory_space<vmem>>)
    %add3A_95 = arith.constant 0 : i32
    %add3A_96 = arith.addi %mul3A_2, %add3A_95 : i32
    %dma_start3A_97 = arith.constant 0 : i32
    %dma_start3A_98 = arith.constant 0 : i32
    %dma_start3A_99 = arith.constant 0 : i32
    %dma_start3A_100 = arith.constant 0 : i32
    %dma_start3A_101 = tpu.memref_slice %arg15[%dma_start3A_97, %dma_start3A_99, %dma_start3A_100] : memref<3x128x256xf32, #tpu.memory_space<vmem>> -> memref<1x128x256xf32, #tpu.memory_space<vmem>>
    %dma_start3A_102 = tpu.memref_squeeze %dma_start3A_101 : memref<1x128x256xf32, #tpu.memory_space<vmem>> -> memref<128x256xf32, #tpu.memory_space<vmem>>
    %dma_start3A_103 = arith.constant 0 : i32
    %dma_start3A_104 = tpu.memref_slice %arg7[%add3A_96, %dma_start3A_103] : memref<32768x256xf32, #tpu.memory_space<hbm>> -> memref<128x256xf32, #tpu.memory_space<hbm>>
    %dma_start3A_105 = tpu.memref_slice %arg17[%dma_start3A_98] : memref<3x!tpu.dma_semaphore, #tpu.memory_space<semaphore_mem>> -> memref<1x!tpu.dma_semaphore, #tpu.memory_space<semaphore_mem>>
    %dma_start3A_106 = tpu.memref_squeeze %dma_start3A_105 : memref<1x!tpu.dma_semaphore, #tpu.memory_space<semaphore_mem>> -> memref<!tpu.dma_semaphore, #tpu.memory_space<semaphore_mem>>
    %dma_start3A_107 = arith.constant 0 : i32
    %dma_start3A_108 = tpu.memref_slice %arg7[%add3A_96, %dma_start3A_107] : memref<32768x256xf32, #tpu.memory_space<hbm>> -> memref<128x256xf32, #tpu.memory_space<hbm>>
    %dma_start3A_109 = arith.constant 0 : i32
    %dma_start3A_110 = arith.constant 0 : i32
    %dma_start3A_111 = tpu.memref_slice %arg15[%dma_start3A_97, %dma_start3A_109, %dma_start3A_110] : memref<3x128x256xf32, #tpu.memory_space<vmem>> -> memref<1x128x256xf32, #tpu.memory_space<vmem>>
    %dma_start3A_112 = tpu.memref_squeeze %dma_start3A_111 : memref<1x128x256xf32, #tpu.memory_space<vmem>> -> memref<128x256xf32, #tpu.memory_space<vmem>>
    tpu.enqueue_dma source(%dma_start3A_112 : memref<128x256xf32, #tpu.memory_space<vmem>>) target(%dma_start3A_108 : memref<128x256xf32, #tpu.memory_space<hbm>>) target_semaphore(%dma_start3A_106 : memref<!tpu.dma_semaphore, #tpu.memory_space<semaphore_mem>>)
    %scan3A_113 = arith.constant 0 : i32
    %scan3A_114 = arith.constant 0 : i32
    %scan3A_115 = arith.constant 8 : i32
    %scan3A_116 = arith.addi %scan3A_114, %scan3A_115 : i32
    %scan3A_117 = arith.constant 1 : i32
    %scan3A_118 = scf.for %scan3A_582 = %scan3A_114 to %scan3A_116 step %scan3A_117 iter_args(%scan3A_583 = %scan3A_113) -> (i32)  : i32 {
      %mul3A_584 = arith.constant 16 : i32
      %mul3A_585 = arith.muli %scan3A_582, %mul3A_584 : i32
      %add3A_586 = arith.constant 256 : i32
      %add3A_587 = arith.addi %add3A_586, %mul3A_585 : i32
      %get3A = arith.index_cast %add3A_587 : i32 to index
      %get3A_588 = tpu.vector_load %arg12[%get3A] {strides = array<i32>} : memref<1024xi32, #tpu.memory_space<vmem>>, vector<16xi32>,
      %gather3A = tpu.vector_load_idx %arg10[%get3A_588] : memref<512xi32, #tpu.memory_space<vmem>>[vector<16xi32>], vector<16xi32>,
      %gather3A_589 = tpu.vector_load_idx %arg14[%gather3A] : memref<16xi32, #tpu.memory_space<vmem>>[vector<16xi32>], vector<16xi32>,
      %get3A_590 = arith.index_cast %add3A_587 : i32 to index
      %get3A_591 = tpu.vector_load %arg11[%get3A_590] {strides = array<i32>} : memref<1024xi32, #tpu.memory_space<vmem>>, vector<16xi32>,
      %add3A_592 = arith.addi %get3A_591, %gather3A_589 : vector<16xi32>
      %min3A = arith.constant 16383 : i32
      %min3A_593 = vector.broadcast %min3A : i32 to vector<16xi32>
      %min3A_594 = arith.minsi %add3A_592, %min3A_593 : vector<16xi32>
      %swap3A_595 = arith.index_cast %add3A_587 : i32 to index
      %swap3A_596 = tpu.vector_load %arg13[%swap3A_595] {strides = array<i32>} : memref<1024xi32, #tpu.memory_space<vmem>>, vector<16xi32>,
      tpu.vector_store %arg13[%swap3A_595], %min3A_594 {strides = array<i32>} : memref<1024xi32, #tpu.memory_space<vmem>>, vector<16xi32>,
      %scan3A_597 = arith.constant 0 : i32
      scf.yield %scan3A_597 : i32
    }
    %scan3A_119 = arith.constant 8 : i32
    %dma_start3A_120 = arith.constant 2 : i32
    %dma_start3A_121 = arith.constant 2 : i32
    %dma_start3A_122 = arith.constant 0 : i32
    %dma_start3A_123 = arith.constant 0 : i32
    %dma_start3A_124 = tpu.memref_slice %arg15[%dma_start3A_120, %dma_start3A_122, %dma_start3A_123] : memref<3x128x256xf32, #tpu.memory_space<vmem>> -> memref<1x128x256xf32, #tpu.memory_space<vmem>>
    %dma_start3A_125 = tpu.memref_squeeze %dma_start3A_124 : memref<1x128x256xf32, #tpu.memory_space<vmem>> -> memref<128x256xf32, #tpu.memory_space<vmem>>
    %dma_start3A_126 = arith.constant 256 : i32
    %dma_start3A_127 = tpu.memref_slice %arg13[%dma_start3A_126] : memref<1024xi32, #tpu.memory_space<vmem>> -> memref<128xi32, #tpu.memory_space<vmem>>
    %dma_start3A_128 = arith.constant 0 : i32
    %dma_start3A_129 = arith.constant 0 : i32
    %dma_start3A_130 = tpu.memref_slice %arg2[%dma_start3A_128, %dma_start3A_129] : memref<16384x256xf32, #tpu.memory_space<hbm>> -> memref<16384x256xf32, #tpu.memory_space<hbm>>
    %dma_start3A_131 = tpu.memref_slice %arg16[%dma_start3A_121] : memref<3x!tpu.dma_semaphore, #tpu.memory_space<semaphore_mem>> -> memref<1x!tpu.dma_semaphore, #tpu.memory_space<semaphore_mem>>
    %dma_start3A_132 = tpu.memref_squeeze %dma_start3A_131 : memref<1x!tpu.dma_semaphore, #tpu.memory_space<semaphore_mem>> -> memref<!tpu.dma_semaphore, #tpu.memory_space<semaphore_mem>>
    tpu.enqueue_indirect_dma source(%dma_start3A_130 : memref<16384x256xf32, #tpu.memory_space<hbm>>) target(%dma_start3A_125 : memref<128x256xf32, #tpu.memory_space<vmem>>) offsets(%dma_start3A_127 : memref<128xi32, #tpu.memory_space<vmem>>) semaphore(%dma_start3A_132 : memref<!tpu.dma_semaphore, #tpu.memory_space<semaphore_mem>>)
    %dma_wait3A_133 = arith.constant 1 : i32
    %dma_wait3A_134 = arith.constant 1 : i32
    %dma_wait3A_135 = arith.constant 0 : i32
    %dma_wait3A_136 = arith.constant 0 : i32
    %dma_wait3A_137 = tpu.memref_slice %arg15[%dma_wait3A_133, %dma_wait3A_135, %dma_wait3A_136] : memref<3x128x256xf32, #tpu.memory_space<vmem>> -> memref<1x128x256xf32, #tpu.memory_space<vmem>>
    %dma_wait3A_138 = tpu.memref_squeeze %dma_wait3A_137 : memref<1x128x256xf32, #tpu.memory_space<vmem>> -> memref<128x256xf32, #tpu.memory_space<vmem>>
    %dma_wait3A_139 = arith.constant 128 : i32
    %dma_wait3A_140 = tpu.memref_slice %arg13[%dma_wait3A_139] : memref<1024xi32, #tpu.memory_space<vmem>> -> memref<128xi32, #tpu.memory_space<vmem>>
    %dma_wait3A_141 = arith.constant 0 : i32
    %dma_wait3A_142 = arith.constant 0 : i32
    %dma_wait3A_143 = tpu.memref_slice %arg2[%dma_wait3A_141, %dma_wait3A_142] : memref<16384x256xf32, #tpu.memory_space<hbm>> -> memref<16384x256xf32, #tpu.memory_space<hbm>>
    %dma_wait3A_144 = tpu.memref_slice %arg16[%dma_wait3A_134] : memref<3x!tpu.dma_semaphore, #tpu.memory_space<semaphore_mem>> -> memref<1x!tpu.dma_semaphore, #tpu.memory_space<semaphore_mem>>
    %dma_wait3A_145 = tpu.memref_squeeze %dma_wait3A_144 : memref<1x!tpu.dma_semaphore, #tpu.memory_space<semaphore_mem>> -> memref<!tpu.dma_semaphore, #tpu.memory_space<semaphore_mem>>
    tpu.wait_indirect_dma semaphore(%dma_wait3A_145 : memref<!tpu.dma_semaphore, #tpu.memory_space<semaphore_mem>>) src(%dma_wait3A_143 : memref<16384x256xf32, #tpu.memory_space<hbm>>) dst(%dma_wait3A_138 : memref<128x256xf32, #tpu.memory_space<vmem>>)
    %add3A_146 = arith.constant 128 : i32
    %add3A_147 = arith.addi %mul3A_2, %add3A_146 : i32
    %dma_start3A_148 = arith.constant 1 : i32
    %dma_start3A_149 = arith.constant 1 : i32
    %dma_start3A_150 = arith.constant 0 : i32
    %dma_start3A_151 = arith.constant 0 : i32
    %dma_start3A_152 = tpu.memref_slice %arg15[%dma_start3A_148, %dma_start3A_150, %dma_start3A_151] : memref<3x128x256xf32, #tpu.memory_space<vmem>> -> memref<1x128x256xf32, #tpu.memory_space<vmem>>
    %dma_start3A_153 = tpu.memref_squeeze %dma_start3A_152 : memref<1x128x256xf32, #tpu.memory_space<vmem>> -> memref<128x256xf32, #tpu.memory_space<vmem>>
    %dma_start3A_154 = arith.constant 0 : i32
    %dma_start3A_155 = tpu.memref_slice %arg7[%add3A_147, %dma_start3A_154] : memref<32768x256xf32, #tpu.memory_space<hbm>> -> memref<128x256xf32, #tpu.memory_space<hbm>>
    %dma_start3A_156 = tpu.memref_slice %arg17[%dma_start3A_149] : memref<3x!tpu.dma_semaphore, #tpu.memory_space<semaphore_mem>> -> memref<1x!tpu.dma_semaphore, #tpu.memory_space<semaphore_mem>>
    %dma_start3A_157 = tpu.memref_squeeze %dma_start3A_156 : memref<1x!tpu.dma_semaphore, #tpu.memory_space<semaphore_mem>> -> memref<!tpu.dma_semaphore, #tpu.memory_space<semaphore_mem>>
    %dma_start3A_158 = arith.constant 0 : i32
    %dma_start3A_159 = tpu.memref_slice %arg7[%add3A_147, %dma_start3A_158] : memref<32768x256xf32, #tpu.memory_space<hbm>> -> memref<128x256xf32, #tpu.memory_space<hbm>>
    %dma_start3A_160 = arith.constant 0 : i32
    %dma_start3A_161 = arith.constant 0 : i32
    %dma_start3A_162 = tpu.memref_slice %arg15[%dma_start3A_148, %dma_start3A_160, %dma_start3A_161] : memref<3x128x256xf32, #tpu.memory_space<vmem>> -> memref<1x128x256xf32, #tpu.memory_space<vmem>>
    %dma_start3A_163 = tpu.memref_squeeze %dma_start3A_162 : memref<1x128x256xf32, #tpu.memory_space<vmem>> -> memref<128x256xf32, #tpu.memory_space<vmem>>
    tpu.enqueue_dma source(%dma_start3A_163 : memref<128x256xf32, #tpu.memory_space<vmem>>) target(%dma_start3A_159 : memref<128x256xf32, #tpu.memory_space<hbm>>) target_semaphore(%dma_start3A_157 : memref<!tpu.dma_semaphore, #tpu.memory_space<semaphore_mem>>)
    %scan3A_164 = arith.constant 0 : i32
    %scan3A_165 = arith.constant 0 : i32
    %scan3A_166 = arith.constant 8 : i32
    %scan3A_167 = arith.addi %scan3A_165, %scan3A_166 : i32
    %scan3A_168 = arith.constant 1 : i32
    %scan3A_169 = scf.for %scan3A_582 = %scan3A_165 to %scan3A_167 step %scan3A_168 iter_args(%scan3A_583 = %scan3A_164) -> (i32)  : i32 {
      %mul3A_584 = arith.constant 16 : i32
      %mul3A_585 = arith.muli %scan3A_582, %mul3A_584 : i32
      %add3A_586 = arith.constant 384 : i32
      %add3A_587 = arith.addi %add3A_586, %mul3A_585 : i32
      %get3A = arith.index_cast %add3A_587 : i32 to index
      %get3A_588 = tpu.vector_load %arg12[%get3A] {strides = array<i32>} : memref<1024xi32, #tpu.memory_space<vmem>>, vector<16xi32>,
      %gather3A = tpu.vector_load_idx %arg10[%get3A_588] : memref<512xi32, #tpu.memory_space<vmem>>[vector<16xi32>], vector<16xi32>,
      %gather3A_589 = tpu.vector_load_idx %arg14[%gather3A] : memref<16xi32, #tpu.memory_space<vmem>>[vector<16xi32>], vector<16xi32>,
      %get3A_590 = arith.index_cast %add3A_587 : i32 to index
      %get3A_591 = tpu.vector_load %arg11[%get3A_590] {strides = array<i32>} : memref<1024xi32, #tpu.memory_space<vmem>>, vector<16xi32>,
      %add3A_592 = arith.addi %get3A_591, %gather3A_589 : vector<16xi32>
      %min3A = arith.constant 16383 : i32
      %min3A_593 = vector.broadcast %min3A : i32 to vector<16xi32>
      %min3A_594 = arith.minsi %add3A_592, %min3A_593 : vector<16xi32>
      %swap3A_595 = arith.index_cast %add3A_587 : i32 to index
      %swap3A_596 = tpu.vector_load %arg13[%swap3A_595] {strides = array<i32>} : memref<1024xi32, #tpu.memory_space<vmem>>, vector<16xi32>,
      tpu.vector_store %arg13[%swap3A_595], %min3A_594 {strides = array<i32>} : memref<1024xi32, #tpu.memory_space<vmem>>, vector<16xi32>,
      %scan3A_597 = arith.constant 0 : i32
      scf.yield %scan3A_597 : i32
    }
    %scan3A_170 = arith.constant 8 : i32
    %dma_wait3A_171 = arith.constant 0 : i32
    %dma_wait3A_172 = arith.constant 0 : i32
    %dma_wait3A_173 = arith.constant 0 : i32
    %dma_wait3A_174 = arith.constant 0 : i32
    %dma_wait3A_175 = tpu.memref_slice %arg15[%dma_wait3A_171, %dma_wait3A_173, %dma_wait3A_174] : memref<3x128x256xf32, #tpu.memory_space<vmem>> -> memref<1x128x256xf32, #tpu.memory_space<vmem>>
    %dma_wait3A_176 = tpu.memref_squeeze %dma_wait3A_175 : memref<1x128x256xf32, #tpu.memory_space<vmem>> -> memref<128x256xf32, #tpu.memory_space<vmem>>
    %dma_wait3A_177 = arith.constant 0 : i32
    %dma_wait3A_178 = tpu.memref_slice %arg7[%add3A_96, %dma_wait3A_177] : memref<32768x256xf32, #tpu.memory_space<hbm>> -> memref<128x256xf32, #tpu.memory_space<hbm>>
    %dma_wait3A_179 = tpu.memref_slice %arg17[%dma_wait3A_172] : memref<3x!tpu.dma_semaphore, #tpu.memory_space<semaphore_mem>> -> memref<1x!tpu.dma_semaphore, #tpu.memory_space<semaphore_mem>>
    %dma_wait3A_180 = tpu.memref_squeeze %dma_wait3A_179 : memref<1x!tpu.dma_semaphore, #tpu.memory_space<semaphore_mem>> -> memref<!tpu.dma_semaphore, #tpu.memory_space<semaphore_mem>>
    %dma_wait3A_181 = arith.constant 0 : i32
    %dma_wait3A_182 = tpu.memref_slice %arg7[%add3A_96, %dma_wait3A_181] : memref<32768x256xf32, #tpu.memory_space<hbm>> -> memref<128x256xf32, #tpu.memory_space<hbm>>
    %dma_wait3A_183 = arith.constant 0 : i32
    %dma_wait3A_184 = arith.constant 0 : i32
    %dma_wait3A_185 = tpu.memref_slice %arg15[%dma_wait3A_171, %dma_wait3A_183, %dma_wait3A_184] : memref<3x128x256xf32, #tpu.memory_space<vmem>> -> memref<1x128x256xf32, #tpu.memory_space<vmem>>
    %dma_wait3A_186 = tpu.memref_squeeze %dma_wait3A_185 : memref<1x128x256xf32, #tpu.memory_space<vmem>> -> memref<128x256xf32, #tpu.memory_space<vmem>>
    tpu.wait_dma2 semaphore(%dma_wait3A_180 : memref<!tpu.dma_semaphore, #tpu.memory_space<semaphore_mem>>) src(%dma_wait3A_186 : memref<128x256xf32, #tpu.memory_space<vmem>>) dst(%dma_wait3A_182 : memref<128x256xf32, #tpu.memory_space<hbm>>)
    %dma_start3A_187 = arith.constant 0 : i32
    %dma_start3A_188 = arith.constant 0 : i32
    %dma_start3A_189 = arith.constant 0 : i32
    %dma_start3A_190 = arith.constant 0 : i32
    %dma_start3A_191 = tpu.memref_slice %arg15[%dma_start3A_187, %dma_start3A_189, %dma_start3A_190] : memref<3x128x256xf32, #tpu.memory_space<vmem>> -> memref<1x128x256xf32, #tpu.memory_space<vmem>>
    %dma_start3A_192 = tpu.memref_squeeze %dma_start3A_191 : memref<1x128x256xf32, #tpu.memory_space<vmem>> -> memref<128x256xf32, #tpu.memory_space<vmem>>
    %dma_start3A_193 = arith.constant 384 : i32
    %dma_start3A_194 = tpu.memref_slice %arg13[%dma_start3A_193] : memref<1024xi32, #tpu.memory_space<vmem>> -> memref<128xi32, #tpu.memory_space<vmem>>
    %dma_start3A_195 = arith.constant 0 : i32
    %dma_start3A_196 = arith.constant 0 : i32
    %dma_start3A_197 = tpu.memref_slice %arg2[%dma_start3A_195, %dma_start3A_196] : memref<16384x256xf32, #tpu.memory_space<hbm>> -> memref<16384x256xf32, #tpu.memory_space<hbm>>
    %dma_start3A_198 = tpu.memref_slice %arg16[%dma_start3A_188] : memref<3x!tpu.dma_semaphore, #tpu.memory_space<semaphore_mem>> -> memref<1x!tpu.dma_semaphore, #tpu.memory_space<semaphore_mem>>
    %dma_start3A_199 = tpu.memref_squeeze %dma_start3A_198 : memref<1x!tpu.dma_semaphore, #tpu.memory_space<semaphore_mem>> -> memref<!tpu.dma_semaphore, #tpu.memory_space<semaphore_mem>>
    tpu.enqueue_indirect_dma source(%dma_start3A_197 : memref<16384x256xf32, #tpu.memory_space<hbm>>) target(%dma_start3A_192 : memref<128x256xf32, #tpu.memory_space<vmem>>) offsets(%dma_start3A_194 : memref<128xi32, #tpu.memory_space<vmem>>) semaphore(%dma_start3A_199 : memref<!tpu.dma_semaphore, #tpu.memory_space<semaphore_mem>>)
    %dma_wait3A_200 = arith.constant 2 : i32
    %dma_wait3A_201 = arith.constant 2 : i32
    %dma_wait3A_202 = arith.constant 0 : i32
    %dma_wait3A_203 = arith.constant 0 : i32
    %dma_wait3A_204 = tpu.memref_slice %arg15[%dma_wait3A_200, %dma_wait3A_202, %dma_wait3A_203] : memref<3x128x256xf32, #tpu.memory_space<vmem>> -> memref<1x128x256xf32, #tpu.memory_space<vmem>>
    %dma_wait3A_205 = tpu.memref_squeeze %dma_wait3A_204 : memref<1x128x256xf32, #tpu.memory_space<vmem>> -> memref<128x256xf32, #tpu.memory_space<vmem>>
    %dma_wait3A_206 = arith.constant 256 : i32
    %dma_wait3A_207 = tpu.memref_slice %arg13[%dma_wait3A_206] : memref<1024xi32, #tpu.memory_space<vmem>> -> memref<128xi32, #tpu.memory_space<vmem>>
    %dma_wait3A_208 = arith.constant 0 : i32
    %dma_wait3A_209 = arith.constant 0 : i32
    %dma_wait3A_210 = tpu.memref_slice %arg2[%dma_wait3A_208, %dma_wait3A_209] : memref<16384x256xf32, #tpu.memory_space<hbm>> -> memref<16384x256xf32, #tpu.memory_space<hbm>>
    %dma_wait3A_211 = tpu.memref_slice %arg16[%dma_wait3A_201] : memref<3x!tpu.dma_semaphore, #tpu.memory_space<semaphore_mem>> -> memref<1x!tpu.dma_semaphore, #tpu.memory_space<semaphore_mem>>
    %dma_wait3A_212 = tpu.memref_squeeze %dma_wait3A_211 : memref<1x!tpu.dma_semaphore, #tpu.memory_space<semaphore_mem>> -> memref<!tpu.dma_semaphore, #tpu.memory_space<semaphore_mem>>
    tpu.wait_indirect_dma semaphore(%dma_wait3A_212 : memref<!tpu.dma_semaphore, #tpu.memory_space<semaphore_mem>>) src(%dma_wait3A_210 : memref<16384x256xf32, #tpu.memory_space<hbm>>) dst(%dma_wait3A_205 : memref<128x256xf32, #tpu.memory_space<vmem>>)
    %add3A_213 = arith.constant 256 : i32
    %add3A_214 = arith.addi %mul3A_2, %add3A_213 : i32
    %dma_start3A_215 = arith.constant 2 : i32
    %dma_start3A_216 = arith.constant 2 : i32
    %dma_start3A_217 = arith.constant 0 : i32
    %dma_start3A_218 = arith.constant 0 : i32
    %dma_start3A_219 = tpu.memref_slice %arg15[%dma_start3A_215, %dma_start3A_217, %dma_start3A_218] : memref<3x128x256xf32, #tpu.memory_space<vmem>> -> memref<1x128x256xf32, #tpu.memory_space<vmem>>
    %dma_start3A_220 = tpu.memref_squeeze %dma_start3A_219 : memref<1x128x256xf32, #tpu.memory_space<vmem>> -> memref<128x256xf32, #tpu.memory_space<vmem>>
    %dma_start3A_221 = arith.constant 0 : i32
    %dma_start3A_222 = tpu.memref_slice %arg7[%add3A_214, %dma_start3A_221] : memref<32768x256xf32, #tpu.memory_space<hbm>> -> memref<128x256xf32, #tpu.memory_space<hbm>>
    %dma_start3A_223 = tpu.memref_slice %arg17[%dma_start3A_216] : memref<3x!tpu.dma_semaphore, #tpu.memory_space<semaphore_mem>> -> memref<1x!tpu.dma_semaphore, #tpu.memory_space<semaphore_mem>>
    %dma_start3A_224 = tpu.memref_squeeze %dma_start3A_223 : memref<1x!tpu.dma_semaphore, #tpu.memory_space<semaphore_mem>> -> memref<!tpu.dma_semaphore, #tpu.memory_space<semaphore_mem>>
    %dma_start3A_225 = arith.constant 0 : i32
    %dma_start3A_226 = tpu.memref_slice %arg7[%add3A_214, %dma_start3A_225] : memref<32768x256xf32, #tpu.memory_space<hbm>> -> memref<128x256xf32, #tpu.memory_space<hbm>>
    %dma_start3A_227 = arith.constant 0 : i32
    %dma_start3A_228 = arith.constant 0 : i32
    %dma_start3A_229 = tpu.memref_slice %arg15[%dma_start3A_215, %dma_start3A_227, %dma_start3A_228] : memref<3x128x256xf32, #tpu.memory_space<vmem>> -> memref<1x128x256xf32, #tpu.memory_space<vmem>>
    %dma_start3A_230 = tpu.memref_squeeze %dma_start3A_229 : memref<1x128x256xf32, #tpu.memory_space<vmem>> -> memref<128x256xf32, #tpu.memory_space<vmem>>
    tpu.enqueue_dma source(%dma_start3A_230 : memref<128x256xf32, #tpu.memory_space<vmem>>) target(%dma_start3A_226 : memref<128x256xf32, #tpu.memory_space<hbm>>) target_semaphore(%dma_start3A_224 : memref<!tpu.dma_semaphore, #tpu.memory_space<semaphore_mem>>)
    %scan3A_231 = arith.constant 0 : i32
    %scan3A_232 = arith.constant 0 : i32
    %scan3A_233 = arith.constant 8 : i32
    %scan3A_234 = arith.addi %scan3A_232, %scan3A_233 : i32
    %scan3A_235 = arith.constant 1 : i32
    %scan3A_236 = scf.for %scan3A_582 = %scan3A_232 to %scan3A_234 step %scan3A_235 iter_args(%scan3A_583 = %scan3A_231) -> (i32)  : i32 {
      %mul3A_584 = arith.constant 16 : i32
      %mul3A_585 = arith.muli %scan3A_582, %mul3A_584 : i32
      %add3A_586 = arith.constant 512 : i32
      %add3A_587 = arith.addi %add3A_586, %mul3A_585 : i32
      %get3A = arith.index_cast %add3A_587 : i32 to index
      %get3A_588 = tpu.vector_load %arg12[%get3A] {strides = array<i32>} : memref<1024xi32, #tpu.memory_space<vmem>>, vector<16xi32>,
      %gather3A = tpu.vector_load_idx %arg10[%get3A_588] : memref<512xi32, #tpu.memory_space<vmem>>[vector<16xi32>], vector<16xi32>,
      %gather3A_589 = tpu.vector_load_idx %arg14[%gather3A] : memref<16xi32, #tpu.memory_space<vmem>>[vector<16xi32>], vector<16xi32>,
      %get3A_590 = arith.index_cast %add3A_587 : i32 to index
      %get3A_591 = tpu.vector_load %arg11[%get3A_590] {strides = array<i32>} : memref<1024xi32, #tpu.memory_space<vmem>>, vector<16xi32>,
      %add3A_592 = arith.addi %get3A_591, %gather3A_589 : vector<16xi32>
      %min3A = arith.constant 16383 : i32
      %min3A_593 = vector.broadcast %min3A : i32 to vector<16xi32>
      %min3A_594 = arith.minsi %add3A_592, %min3A_593 : vector<16xi32>
      %swap3A_595 = arith.index_cast %add3A_587 : i32 to index
      %swap3A_596 = tpu.vector_load %arg13[%swap3A_595] {strides = array<i32>} : memref<1024xi32, #tpu.memory_space<vmem>>, vector<16xi32>,
      tpu.vector_store %arg13[%swap3A_595], %min3A_594 {strides = array<i32>} : memref<1024xi32, #tpu.memory_space<vmem>>, vector<16xi32>,
      %scan3A_597 = arith.constant 0 : i32
      scf.yield %scan3A_597 : i32
    }
    %scan3A_237 = arith.constant 8 : i32
    %dma_wait3A_238 = arith.constant 1 : i32
    %dma_wait3A_239 = arith.constant 1 : i32
    %dma_wait3A_240 = arith.constant 0 : i32
    %dma_wait3A_241 = arith.constant 0 : i32
    %dma_wait3A_242 = tpu.memref_slice %arg15[%dma_wait3A_238, %dma_wait3A_240, %dma_wait3A_241] : memref<3x128x256xf32, #tpu.memory_space<vmem>> -> memref<1x128x256xf32, #tpu.memory_space<vmem>>
    %dma_wait3A_243 = tpu.memref_squeeze %dma_wait3A_242 : memref<1x128x256xf32, #tpu.memory_space<vmem>> -> memref<128x256xf32, #tpu.memory_space<vmem>>
    %dma_wait3A_244 = arith.constant 0 : i32
    %dma_wait3A_245 = tpu.memref_slice %arg7[%add3A_147, %dma_wait3A_244] : memref<32768x256xf32, #tpu.memory_space<hbm>> -> memref<128x256xf32, #tpu.memory_space<hbm>>
    %dma_wait3A_246 = tpu.memref_slice %arg17[%dma_wait3A_239] : memref<3x!tpu.dma_semaphore, #tpu.memory_space<semaphore_mem>> -> memref<1x!tpu.dma_semaphore, #tpu.memory_space<semaphore_mem>>
    %dma_wait3A_247 = tpu.memref_squeeze %dma_wait3A_246 : memref<1x!tpu.dma_semaphore, #tpu.memory_space<semaphore_mem>> -> memref<!tpu.dma_semaphore, #tpu.memory_space<semaphore_mem>>
    %dma_wait3A_248 = arith.constant 0 : i32
    %dma_wait3A_249 = tpu.memref_slice %arg7[%add3A_147, %dma_wait3A_248] : memref<32768x256xf32, #tpu.memory_space<hbm>> -> memref<128x256xf32, #tpu.memory_space<hbm>>
    %dma_wait3A_250 = arith.constant 0 : i32
    %dma_wait3A_251 = arith.constant 0 : i32
    %dma_wait3A_252 = tpu.memref_slice %arg15[%dma_wait3A_238, %dma_wait3A_250, %dma_wait3A_251] : memref<3x128x256xf32, #tpu.memory_space<vmem>> -> memref<1x128x256xf32, #tpu.memory_space<vmem>>
    %dma_wait3A_253 = tpu.memref_squeeze %dma_wait3A_252 : memref<1x128x256xf32, #tpu.memory_space<vmem>> -> memref<128x256xf32, #tpu.memory_space<vmem>>
    tpu.wait_dma2 semaphore(%dma_wait3A_247 : memref<!tpu.dma_semaphore, #tpu.memory_space<semaphore_mem>>) src(%dma_wait3A_253 : memref<128x256xf32, #tpu.memory_space<vmem>>) dst(%dma_wait3A_249 : memref<128x256xf32, #tpu.memory_space<hbm>>)
    %dma_start3A_254 = arith.constant 1 : i32
    %dma_start3A_255 = arith.constant 1 : i32
    %dma_start3A_256 = arith.constant 0 : i32
    %dma_start3A_257 = arith.constant 0 : i32
    %dma_start3A_258 = tpu.memref_slice %arg15[%dma_start3A_254, %dma_start3A_256, %dma_start3A_257] : memref<3x128x256xf32, #tpu.memory_space<vmem>> -> memref<1x128x256xf32, #tpu.memory_space<vmem>>
    %dma_start3A_259 = tpu.memref_squeeze %dma_start3A_258 : memref<1x128x256xf32, #tpu.memory_space<vmem>> -> memref<128x256xf32, #tpu.memory_space<vmem>>
    %dma_start3A_260 = arith.constant 512 : i32
    %dma_start3A_261 = tpu.memref_slice %arg13[%dma_start3A_260] : memref<1024xi32, #tpu.memory_space<vmem>> -> memref<128xi32, #tpu.memory_space<vmem>>
    %dma_start3A_262 = arith.constant 0 : i32
    %dma_start3A_263 = arith.constant 0 : i32
    %dma_start3A_264 = tpu.memref_slice %arg2[%dma_start3A_262, %dma_start3A_263] : memref<16384x256xf32, #tpu.memory_space<hbm>> -> memref<16384x256xf32, #tpu.memory_space<hbm>>
    %dma_start3A_265 = tpu.memref_slice %arg16[%dma_start3A_255] : memref<3x!tpu.dma_semaphore, #tpu.memory_space<semaphore_mem>> -> memref<1x!tpu.dma_semaphore, #tpu.memory_space<semaphore_mem>>
    %dma_start3A_266 = tpu.memref_squeeze %dma_start3A_265 : memref<1x!tpu.dma_semaphore, #tpu.memory_space<semaphore_mem>> -> memref<!tpu.dma_semaphore, #tpu.memory_space<semaphore_mem>>
    tpu.enqueue_indirect_dma source(%dma_start3A_264 : memref<16384x256xf32, #tpu.memory_space<hbm>>) target(%dma_start3A_259 : memref<128x256xf32, #tpu.memory_space<vmem>>) offsets(%dma_start3A_261 : memref<128xi32, #tpu.memory_space<vmem>>) semaphore(%dma_start3A_266 : memref<!tpu.dma_semaphore, #tpu.memory_space<semaphore_mem>>)
    %dma_wait3A_267 = arith.constant 0 : i32
    %dma_wait3A_268 = arith.constant 0 : i32
    %dma_wait3A_269 = arith.constant 0 : i32
    %dma_wait3A_270 = arith.constant 0 : i32
    %dma_wait3A_271 = tpu.memref_slice %arg15[%dma_wait3A_267, %dma_wait3A_269, %dma_wait3A_270] : memref<3x128x256xf32, #tpu.memory_space<vmem>> -> memref<1x128x256xf32, #tpu.memory_space<vmem>>
    %dma_wait3A_272 = tpu.memref_squeeze %dma_wait3A_271 : memref<1x128x256xf32, #tpu.memory_space<vmem>> -> memref<128x256xf32, #tpu.memory_space<vmem>>
    %dma_wait3A_273 = arith.constant 384 : i32
    %dma_wait3A_274 = tpu.memref_slice %arg13[%dma_wait3A_273] : memref<1024xi32, #tpu.memory_space<vmem>> -> memref<128xi32, #tpu.memory_space<vmem>>
    %dma_wait3A_275 = arith.constant 0 : i32
    %dma_wait3A_276 = arith.constant 0 : i32
    %dma_wait3A_277 = tpu.memref_slice %arg2[%dma_wait3A_275, %dma_wait3A_276] : memref<16384x256xf32, #tpu.memory_space<hbm>> -> memref<16384x256xf32, #tpu.memory_space<hbm>>
    %dma_wait3A_278 = tpu.memref_slice %arg16[%dma_wait3A_268] : memref<3x!tpu.dma_semaphore, #tpu.memory_space<semaphore_mem>> -> memref<1x!tpu.dma_semaphore, #tpu.memory_space<semaphore_mem>>
    %dma_wait3A_279 = tpu.memref_squeeze %dma_wait3A_278 : memref<1x!tpu.dma_semaphore, #tpu.memory_space<semaphore_mem>> -> memref<!tpu.dma_semaphore, #tpu.memory_space<semaphore_mem>>
    tpu.wait_indirect_dma semaphore(%dma_wait3A_279 : memref<!tpu.dma_semaphore, #tpu.memory_space<semaphore_mem>>) src(%dma_wait3A_277 : memref<16384x256xf32, #tpu.memory_space<hbm>>) dst(%dma_wait3A_272 : memref<128x256xf32, #tpu.memory_space<vmem>>)
    %add3A_280 = arith.constant 384 : i32
    %add3A_281 = arith.addi %mul3A_2, %add3A_280 : i32
    %dma_start3A_282 = arith.constant 0 : i32
    %dma_start3A_283 = arith.constant 0 : i32
    %dma_start3A_284 = arith.constant 0 : i32
    %dma_start3A_285 = arith.constant 0 : i32
    %dma_start3A_286 = tpu.memref_slice %arg15[%dma_start3A_282, %dma_start3A_284, %dma_start3A_285] : memref<3x128x256xf32, #tpu.memory_space<vmem>> -> memref<1x128x256xf32, #tpu.memory_space<vmem>>
    %dma_start3A_287 = tpu.memref_squeeze %dma_start3A_286 : memref<1x128x256xf32, #tpu.memory_space<vmem>> -> memref<128x256xf32, #tpu.memory_space<vmem>>
    %dma_start3A_288 = arith.constant 0 : i32
    %dma_start3A_289 = tpu.memref_slice %arg7[%add3A_281, %dma_start3A_288] : memref<32768x256xf32, #tpu.memory_space<hbm>> -> memref<128x256xf32, #tpu.memory_space<hbm>>
    %dma_start3A_290 = tpu.memref_slice %arg17[%dma_start3A_283] : memref<3x!tpu.dma_semaphore, #tpu.memory_space<semaphore_mem>> -> memref<1x!tpu.dma_semaphore, #tpu.memory_space<semaphore_mem>>
    %dma_start3A_291 = tpu.memref_squeeze %dma_start3A_290 : memref<1x!tpu.dma_semaphore, #tpu.memory_space<semaphore_mem>> -> memref<!tpu.dma_semaphore, #tpu.memory_space<semaphore_mem>>
    %dma_start3A_292 = arith.constant 0 : i32
    %dma_start3A_293 = tpu.memref_slice %arg7[%add3A_281, %dma_start3A_292] : memref<32768x256xf32, #tpu.memory_space<hbm>> -> memref<128x256xf32, #tpu.memory_space<hbm>>
    %dma_start3A_294 = arith.constant 0 : i32
    %dma_start3A_295 = arith.constant 0 : i32
    %dma_start3A_296 = tpu.memref_slice %arg15[%dma_start3A_282, %dma_start3A_294, %dma_start3A_295] : memref<3x128x256xf32, #tpu.memory_space<vmem>> -> memref<1x128x256xf32, #tpu.memory_space<vmem>>
    %dma_start3A_297 = tpu.memref_squeeze %dma_start3A_296 : memref<1x128x256xf32, #tpu.memory_space<vmem>> -> memref<128x256xf32, #tpu.memory_space<vmem>>
    tpu.enqueue_dma source(%dma_start3A_297 : memref<128x256xf32, #tpu.memory_space<vmem>>) target(%dma_start3A_293 : memref<128x256xf32, #tpu.memory_space<hbm>>) target_semaphore(%dma_start3A_291 : memref<!tpu.dma_semaphore, #tpu.memory_space<semaphore_mem>>)
    %scan3A_298 = arith.constant 0 : i32
    %scan3A_299 = arith.constant 0 : i32
    %scan3A_300 = arith.constant 8 : i32
    %scan3A_301 = arith.addi %scan3A_299, %scan3A_300 : i32
    %scan3A_302 = arith.constant 1 : i32
    %scan3A_303 = scf.for %scan3A_582 = %scan3A_299 to %scan3A_301 step %scan3A_302 iter_args(%scan3A_583 = %scan3A_298) -> (i32)  : i32 {
      %mul3A_584 = arith.constant 16 : i32
      %mul3A_585 = arith.muli %scan3A_582, %mul3A_584 : i32
      %add3A_586 = arith.constant 640 : i32
      %add3A_587 = arith.addi %add3A_586, %mul3A_585 : i32
      %get3A = arith.index_cast %add3A_587 : i32 to index
      %get3A_588 = tpu.vector_load %arg12[%get3A] {strides = array<i32>} : memref<1024xi32, #tpu.memory_space<vmem>>, vector<16xi32>,
      %gather3A = tpu.vector_load_idx %arg10[%get3A_588] : memref<512xi32, #tpu.memory_space<vmem>>[vector<16xi32>], vector<16xi32>,
      %gather3A_589 = tpu.vector_load_idx %arg14[%gather3A] : memref<16xi32, #tpu.memory_space<vmem>>[vector<16xi32>], vector<16xi32>,
      %get3A_590 = arith.index_cast %add3A_587 : i32 to index
      %get3A_591 = tpu.vector_load %arg11[%get3A_590] {strides = array<i32>} : memref<1024xi32, #tpu.memory_space<vmem>>, vector<16xi32>,
      %add3A_592 = arith.addi %get3A_591, %gather3A_589 : vector<16xi32>
      %min3A = arith.constant 16383 : i32
      %min3A_593 = vector.broadcast %min3A : i32 to vector<16xi32>
      %min3A_594 = arith.minsi %add3A_592, %min3A_593 : vector<16xi32>
      %swap3A_595 = arith.index_cast %add3A_587 : i32 to index
      %swap3A_596 = tpu.vector_load %arg13[%swap3A_595] {strides = array<i32>} : memref<1024xi32, #tpu.memory_space<vmem>>, vector<16xi32>,
      tpu.vector_store %arg13[%swap3A_595], %min3A_594 {strides = array<i32>} : memref<1024xi32, #tpu.memory_space<vmem>>, vector<16xi32>,
      %scan3A_597 = arith.constant 0 : i32
      scf.yield %scan3A_597 : i32
    }
    %scan3A_304 = arith.constant 8 : i32
    %dma_wait3A_305 = arith.constant 2 : i32
    %dma_wait3A_306 = arith.constant 2 : i32
    %dma_wait3A_307 = arith.constant 0 : i32
    %dma_wait3A_308 = arith.constant 0 : i32
    %dma_wait3A_309 = tpu.memref_slice %arg15[%dma_wait3A_305, %dma_wait3A_307, %dma_wait3A_308] : memref<3x128x256xf32, #tpu.memory_space<vmem>> -> memref<1x128x256xf32, #tpu.memory_space<vmem>>
    %dma_wait3A_310 = tpu.memref_squeeze %dma_wait3A_309 : memref<1x128x256xf32, #tpu.memory_space<vmem>> -> memref<128x256xf32, #tpu.memory_space<vmem>>
    %dma_wait3A_311 = arith.constant 0 : i32
    %dma_wait3A_312 = tpu.memref_slice %arg7[%add3A_214, %dma_wait3A_311] : memref<32768x256xf32, #tpu.memory_space<hbm>> -> memref<128x256xf32, #tpu.memory_space<hbm>>
    %dma_wait3A_313 = tpu.memref_slice %arg17[%dma_wait3A_306] : memref<3x!tpu.dma_semaphore, #tpu.memory_space<semaphore_mem>> -> memref<1x!tpu.dma_semaphore, #tpu.memory_space<semaphore_mem>>
    %dma_wait3A_314 = tpu.memref_squeeze %dma_wait3A_313 : memref<1x!tpu.dma_semaphore, #tpu.memory_space<semaphore_mem>> -> memref<!tpu.dma_semaphore, #tpu.memory_space<semaphore_mem>>
    %dma_wait3A_315 = arith.constant 0 : i32
    %dma_wait3A_316 = tpu.memref_slice %arg7[%add3A_214, %dma_wait3A_315] : memref<32768x256xf32, #tpu.memory_space<hbm>> -> memref<128x256xf32, #tpu.memory_space<hbm>>
    %dma_wait3A_317 = arith.constant 0 : i32
    %dma_wait3A_318 = arith.constant 0 : i32
    %dma_wait3A_319 = tpu.memref_slice %arg15[%dma_wait3A_305, %dma_wait3A_317, %dma_wait3A_318] : memref<3x128x256xf32, #tpu.memory_space<vmem>> -> memref<1x128x256xf32, #tpu.memory_space<vmem>>
    %dma_wait3A_320 = tpu.memref_squeeze %dma_wait3A_319 : memref<1x128x256xf32, #tpu.memory_space<vmem>> -> memref<128x256xf32, #tpu.memory_space<vmem>>
    tpu.wait_dma2 semaphore(%dma_wait3A_314 : memref<!tpu.dma_semaphore, #tpu.memory_space<semaphore_mem>>) src(%dma_wait3A_320 : memref<128x256xf32, #tpu.memory_space<vmem>>) dst(%dma_wait3A_316 : memref<128x256xf32, #tpu.memory_space<hbm>>)
    %dma_start3A_321 = arith.constant 2 : i32
    %dma_start3A_322 = arith.constant 2 : i32
    %dma_start3A_323 = arith.constant 0 : i32
    %dma_start3A_324 = arith.constant 0 : i32
    %dma_start3A_325 = tpu.memref_slice %arg15[%dma_start3A_321, %dma_start3A_323, %dma_start3A_324] : memref<3x128x256xf32, #tpu.memory_space<vmem>> -> memref<1x128x256xf32, #tpu.memory_space<vmem>>
    %dma_start3A_326 = tpu.memref_squeeze %dma_start3A_325 : memref<1x128x256xf32, #tpu.memory_space<vmem>> -> memref<128x256xf32, #tpu.memory_space<vmem>>
    %dma_start3A_327 = arith.constant 640 : i32
    %dma_start3A_328 = tpu.memref_slice %arg13[%dma_start3A_327] : memref<1024xi32, #tpu.memory_space<vmem>> -> memref<128xi32, #tpu.memory_space<vmem>>
    %dma_start3A_329 = arith.constant 0 : i32
    %dma_start3A_330 = arith.constant 0 : i32
    %dma_start3A_331 = tpu.memref_slice %arg2[%dma_start3A_329, %dma_start3A_330] : memref<16384x256xf32, #tpu.memory_space<hbm>> -> memref<16384x256xf32, #tpu.memory_space<hbm>>
    %dma_start3A_332 = tpu.memref_slice %arg16[%dma_start3A_322] : memref<3x!tpu.dma_semaphore, #tpu.memory_space<semaphore_mem>> -> memref<1x!tpu.dma_semaphore, #tpu.memory_space<semaphore_mem>>
    %dma_start3A_333 = tpu.memref_squeeze %dma_start3A_332 : memref<1x!tpu.dma_semaphore, #tpu.memory_space<semaphore_mem>> -> memref<!tpu.dma_semaphore, #tpu.memory_space<semaphore_mem>>
    tpu.enqueue_indirect_dma source(%dma_start3A_331 : memref<16384x256xf32, #tpu.memory_space<hbm>>) target(%dma_start3A_326 : memref<128x256xf32, #tpu.memory_space<vmem>>) offsets(%dma_start3A_328 : memref<128xi32, #tpu.memory_space<vmem>>) semaphore(%dma_start3A_333 : memref<!tpu.dma_semaphore, #tpu.memory_space<semaphore_mem>>)
    %dma_wait3A_334 = arith.constant 1 : i32
    %dma_wait3A_335 = arith.constant 1 : i32
    %dma_wait3A_336 = arith.constant 0 : i32
    %dma_wait3A_337 = arith.constant 0 : i32
    %dma_wait3A_338 = tpu.memref_slice %arg15[%dma_wait3A_334, %dma_wait3A_336, %dma_wait3A_337] : memref<3x128x256xf32, #tpu.memory_space<vmem>> -> memref<1x128x256xf32, #tpu.memory_space<vmem>>
    %dma_wait3A_339 = tpu.memref_squeeze %dma_wait3A_338 : memref<1x128x256xf32, #tpu.memory_space<vmem>> -> memref<128x256xf32, #tpu.memory_space<vmem>>
    %dma_wait3A_340 = arith.constant 512 : i32
    %dma_wait3A_341 = tpu.memref_slice %arg13[%dma_wait3A_340] : memref<1024xi32, #tpu.memory_space<vmem>> -> memref<128xi32, #tpu.memory_space<vmem>>
    %dma_wait3A_342 = arith.constant 0 : i32
    %dma_wait3A_343 = arith.constant 0 : i32
    %dma_wait3A_344 = tpu.memref_slice %arg2[%dma_wait3A_342, %dma_wait3A_343] : memref<16384x256xf32, #tpu.memory_space<hbm>> -> memref<16384x256xf32, #tpu.memory_space<hbm>>
    %dma_wait3A_345 = tpu.memref_slice %arg16[%dma_wait3A_335] : memref<3x!tpu.dma_semaphore, #tpu.memory_space<semaphore_mem>> -> memref<1x!tpu.dma_semaphore, #tpu.memory_space<semaphore_mem>>
    %dma_wait3A_346 = tpu.memref_squeeze %dma_wait3A_345 : memref<1x!tpu.dma_semaphore, #tpu.memory_space<semaphore_mem>> -> memref<!tpu.dma_semaphore, #tpu.memory_space<semaphore_mem>>
    tpu.wait_indirect_dma semaphore(%dma_wait3A_346 : memref<!tpu.dma_semaphore, #tpu.memory_space<semaphore_mem>>) src(%dma_wait3A_344 : memref<16384x256xf32, #tpu.memory_space<hbm>>) dst(%dma_wait3A_339 : memref<128x256xf32, #tpu.memory_space<vmem>>)
    %add3A_347 = arith.constant 512 : i32
    %add3A_348 = arith.addi %mul3A_2, %add3A_347 : i32
    %dma_start3A_349 = arith.constant 1 : i32
    %dma_start3A_350 = arith.constant 1 : i32
    %dma_start3A_351 = arith.constant 0 : i32
    %dma_start3A_352 = arith.constant 0 : i32
    %dma_start3A_353 = tpu.memref_slice %arg15[%dma_start3A_349, %dma_start3A_351, %dma_start3A_352] : memref<3x128x256xf32, #tpu.memory_space<vmem>> -> memref<1x128x256xf32, #tpu.memory_space<vmem>>
    %dma_start3A_354 = tpu.memref_squeeze %dma_start3A_353 : memref<1x128x256xf32, #tpu.memory_space<vmem>> -> memref<128x256xf32, #tpu.memory_space<vmem>>
    %dma_start3A_355 = arith.constant 0 : i32
    %dma_start3A_356 = tpu.memref_slice %arg7[%add3A_348, %dma_start3A_355] : memref<32768x256xf32, #tpu.memory_space<hbm>> -> memref<128x256xf32, #tpu.memory_space<hbm>>
    %dma_start3A_357 = tpu.memref_slice %arg17[%dma_start3A_350] : memref<3x!tpu.dma_semaphore, #tpu.memory_space<semaphore_mem>> -> memref<1x!tpu.dma_semaphore, #tpu.memory_space<semaphore_mem>>
    %dma_start3A_358 = tpu.memref_squeeze %dma_start3A_357 : memref<1x!tpu.dma_semaphore, #tpu.memory_space<semaphore_mem>> -> memref<!tpu.dma_semaphore, #tpu.memory_space<semaphore_mem>>
    %dma_start3A_359 = arith.constant 0 : i32
    %dma_start3A_360 = tpu.memref_slice %arg7[%add3A_348, %dma_start3A_359] : memref<32768x256xf32, #tpu.memory_space<hbm>> -> memref<128x256xf32, #tpu.memory_space<hbm>>
    %dma_start3A_361 = arith.constant 0 : i32
    %dma_start3A_362 = arith.constant 0 : i32
    %dma_start3A_363 = tpu.memref_slice %arg15[%dma_start3A_349, %dma_start3A_361, %dma_start3A_362] : memref<3x128x256xf32, #tpu.memory_space<vmem>> -> memref<1x128x256xf32, #tpu.memory_space<vmem>>
    %dma_start3A_364 = tpu.memref_squeeze %dma_start3A_363 : memref<1x128x256xf32, #tpu.memory_space<vmem>> -> memref<128x256xf32, #tpu.memory_space<vmem>>
    tpu.enqueue_dma source(%dma_start3A_364 : memref<128x256xf32, #tpu.memory_space<vmem>>) target(%dma_start3A_360 : memref<128x256xf32, #tpu.memory_space<hbm>>) target_semaphore(%dma_start3A_358 : memref<!tpu.dma_semaphore, #tpu.memory_space<semaphore_mem>>)
    %scan3A_365 = arith.constant 0 : i32
    %scan3A_366 = arith.constant 0 : i32
    %scan3A_367 = arith.constant 8 : i32
    %scan3A_368 = arith.addi %scan3A_366, %scan3A_367 : i32
    %scan3A_369 = arith.constant 1 : i32
    %scan3A_370 = scf.for %scan3A_582 = %scan3A_366 to %scan3A_368 step %scan3A_369 iter_args(%scan3A_583 = %scan3A_365) -> (i32)  : i32 {
      %mul3A_584 = arith.constant 16 : i32
      %mul3A_585 = arith.muli %scan3A_582, %mul3A_584 : i32
      %add3A_586 = arith.constant 768 : i32
      %add3A_587 = arith.addi %add3A_586, %mul3A_585 : i32
      %get3A = arith.index_cast %add3A_587 : i32 to index
      %get3A_588 = tpu.vector_load %arg12[%get3A] {strides = array<i32>} : memref<1024xi32, #tpu.memory_space<vmem>>, vector<16xi32>,
      %gather3A = tpu.vector_load_idx %arg10[%get3A_588] : memref<512xi32, #tpu.memory_space<vmem>>[vector<16xi32>], vector<16xi32>,
      %gather3A_589 = tpu.vector_load_idx %arg14[%gather3A] : memref<16xi32, #tpu.memory_space<vmem>>[vector<16xi32>], vector<16xi32>,
      %get3A_590 = arith.index_cast %add3A_587 : i32 to index
      %get3A_591 = tpu.vector_load %arg11[%get3A_590] {strides = array<i32>} : memref<1024xi32, #tpu.memory_space<vmem>>, vector<16xi32>,
      %add3A_592 = arith.addi %get3A_591, %gather3A_589 : vector<16xi32>
      %min3A = arith.constant 16383 : i32
      %min3A_593 = vector.broadcast %min3A : i32 to vector<16xi32>
      %min3A_594 = arith.minsi %add3A_592, %min3A_593 : vector<16xi32>
      %swap3A_595 = arith.index_cast %add3A_587 : i32 to index
      %swap3A_596 = tpu.vector_load %arg13[%swap3A_595] {strides = array<i32>} : memref<1024xi32, #tpu.memory_space<vmem>>, vector<16xi32>,
      tpu.vector_store %arg13[%swap3A_595], %min3A_594 {strides = array<i32>} : memref<1024xi32, #tpu.memory_space<vmem>>, vector<16xi32>,
      %scan3A_597 = arith.constant 0 : i32
      scf.yield %scan3A_597 : i32
    }
    %scan3A_371 = arith.constant 8 : i32
    %dma_wait3A_372 = arith.constant 0 : i32
    %dma_wait3A_373 = arith.constant 0 : i32
    %dma_wait3A_374 = arith.constant 0 : i32
    %dma_wait3A_375 = arith.constant 0 : i32
    %dma_wait3A_376 = tpu.memref_slice %arg15[%dma_wait3A_372, %dma_wait3A_374, %dma_wait3A_375] : memref<3x128x256xf32, #tpu.memory_space<vmem>> -> memref<1x128x256xf32, #tpu.memory_space<vmem>>
    %dma_wait3A_377 = tpu.memref_squeeze %dma_wait3A_376 : memref<1x128x256xf32, #tpu.memory_space<vmem>> -> memref<128x256xf32, #tpu.memory_space<vmem>>
    %dma_wait3A_378 = arith.constant 0 : i32
    %dma_wait3A_379 = tpu.memref_slice %arg7[%add3A_281, %dma_wait3A_378] : memref<32768x256xf32, #tpu.memory_space<hbm>> -> memref<128x256xf32, #tpu.memory_space<hbm>>
    %dma_wait3A_380 = tpu.memref_slice %arg17[%dma_wait3A_373] : memref<3x!tpu.dma_semaphore, #tpu.memory_space<semaphore_mem>> -> memref<1x!tpu.dma_semaphore, #tpu.memory_space<semaphore_mem>>
    %dma_wait3A_381 = tpu.memref_squeeze %dma_wait3A_380 : memref<1x!tpu.dma_semaphore, #tpu.memory_space<semaphore_mem>> -> memref<!tpu.dma_semaphore, #tpu.memory_space<semaphore_mem>>
    %dma_wait3A_382 = arith.constant 0 : i32
    %dma_wait3A_383 = tpu.memref_slice %arg7[%add3A_281, %dma_wait3A_382] : memref<32768x256xf32, #tpu.memory_space<hbm>> -> memref<128x256xf32, #tpu.memory_space<hbm>>
    %dma_wait3A_384 = arith.constant 0 : i32
    %dma_wait3A_385 = arith.constant 0 : i32
    %dma_wait3A_386 = tpu.memref_slice %arg15[%dma_wait3A_372, %dma_wait3A_384, %dma_wait3A_385] : memref<3x128x256xf32, #tpu.memory_space<vmem>> -> memref<1x128x256xf32, #tpu.memory_space<vmem>>
    %dma_wait3A_387 = tpu.memref_squeeze %dma_wait3A_386 : memref<1x128x256xf32, #tpu.memory_space<vmem>> -> memref<128x256xf32, #tpu.memory_space<vmem>>
    tpu.wait_dma2 semaphore(%dma_wait3A_381 : memref<!tpu.dma_semaphore, #tpu.memory_space<semaphore_mem>>) src(%dma_wait3A_387 : memref<128x256xf32, #tpu.memory_space<vmem>>) dst(%dma_wait3A_383 : memref<128x256xf32, #tpu.memory_space<hbm>>)
    %dma_start3A_388 = arith.constant 0 : i32
    %dma_start3A_389 = arith.constant 0 : i32
    %dma_start3A_390 = arith.constant 0 : i32
    %dma_start3A_391 = arith.constant 0 : i32
    %dma_start3A_392 = tpu.memref_slice %arg15[%dma_start3A_388, %dma_start3A_390, %dma_start3A_391] : memref<3x128x256xf32, #tpu.memory_space<vmem>> -> memref<1x128x256xf32, #tpu.memory_space<vmem>>
    %dma_start3A_393 = tpu.memref_squeeze %dma_start3A_392 : memref<1x128x256xf32, #tpu.memory_space<vmem>> -> memref<128x256xf32, #tpu.memory_space<vmem>>
    %dma_start3A_394 = arith.constant 768 : i32
    %dma_start3A_395 = tpu.memref_slice %arg13[%dma_start3A_394] : memref<1024xi32, #tpu.memory_space<vmem>> -> memref<128xi32, #tpu.memory_space<vmem>>
    %dma_start3A_396 = arith.constant 0 : i32
    %dma_start3A_397 = arith.constant 0 : i32
    %dma_start3A_398 = tpu.memref_slice %arg2[%dma_start3A_396, %dma_start3A_397] : memref<16384x256xf32, #tpu.memory_space<hbm>> -> memref<16384x256xf32, #tpu.memory_space<hbm>>
    %dma_start3A_399 = tpu.memref_slice %arg16[%dma_start3A_389] : memref<3x!tpu.dma_semaphore, #tpu.memory_space<semaphore_mem>> -> memref<1x!tpu.dma_semaphore, #tpu.memory_space<semaphore_mem>>
    %dma_start3A_400 = tpu.memref_squeeze %dma_start3A_399 : memref<1x!tpu.dma_semaphore, #tpu.memory_space<semaphore_mem>> -> memref<!tpu.dma_semaphore, #tpu.memory_space<semaphore_mem>>
    tpu.enqueue_indirect_dma source(%dma_start3A_398 : memref<16384x256xf32, #tpu.memory_space<hbm>>) target(%dma_start3A_393 : memref<128x256xf32, #tpu.memory_space<vmem>>) offsets(%dma_start3A_395 : memref<128xi32, #tpu.memory_space<vmem>>) semaphore(%dma_start3A_400 : memref<!tpu.dma_semaphore, #tpu.memory_space<semaphore_mem>>)
    %dma_wait3A_401 = arith.constant 2 : i32
    %dma_wait3A_402 = arith.constant 2 : i32
    %dma_wait3A_403 = arith.constant 0 : i32
    %dma_wait3A_404 = arith.constant 0 : i32
    %dma_wait3A_405 = tpu.memref_slice %arg15[%dma_wait3A_401, %dma_wait3A_403, %dma_wait3A_404] : memref<3x128x256xf32, #tpu.memory_space<vmem>> -> memref<1x128x256xf32, #tpu.memory_space<vmem>>
    %dma_wait3A_406 = tpu.memref_squeeze %dma_wait3A_405 : memref<1x128x256xf32, #tpu.memory_space<vmem>> -> memref<128x256xf32, #tpu.memory_space<vmem>>
    %dma_wait3A_407 = arith.constant 640 : i32
    %dma_wait3A_408 = tpu.memref_slice %arg13[%dma_wait3A_407] : memref<1024xi32, #tpu.memory_space<vmem>> -> memref<128xi32, #tpu.memory_space<vmem>>
    %dma_wait3A_409 = arith.constant 0 : i32
    %dma_wait3A_410 = arith.constant 0 : i32
    %dma_wait3A_411 = tpu.memref_slice %arg2[%dma_wait3A_409, %dma_wait3A_410] : memref<16384x256xf32, #tpu.memory_space<hbm>> -> memref<16384x256xf32, #tpu.memory_space<hbm>>
    %dma_wait3A_412 = tpu.memref_slice %arg16[%dma_wait3A_402] : memref<3x!tpu.dma_semaphore, #tpu.memory_space<semaphore_mem>> -> memref<1x!tpu.dma_semaphore, #tpu.memory_space<semaphore_mem>>
    %dma_wait3A_413 = tpu.memref_squeeze %dma_wait3A_412 : memref<1x!tpu.dma_semaphore, #tpu.memory_space<semaphore_mem>> -> memref<!tpu.dma_semaphore, #tpu.memory_space<semaphore_mem>>
    tpu.wait_indirect_dma semaphore(%dma_wait3A_413 : memref<!tpu.dma_semaphore, #tpu.memory_space<semaphore_mem>>) src(%dma_wait3A_411 : memref<16384x256xf32, #tpu.memory_space<hbm>>) dst(%dma_wait3A_406 : memref<128x256xf32, #tpu.memory_space<vmem>>)
    %add3A_414 = arith.constant 640 : i32
    %add3A_415 = arith.addi %mul3A_2, %add3A_414 : i32
    %dma_start3A_416 = arith.constant 2 : i32
    %dma_start3A_417 = arith.constant 2 : i32
    %dma_start3A_418 = arith.constant 0 : i32
    %dma_start3A_419 = arith.constant 0 : i32
    %dma_start3A_420 = tpu.memref_slice %arg15[%dma_start3A_416, %dma_start3A_418, %dma_start3A_419] : memref<3x128x256xf32, #tpu.memory_space<vmem>> -> memref<1x128x256xf32, #tpu.memory_space<vmem>>
    %dma_start3A_421 = tpu.memref_squeeze %dma_start3A_420 : memref<1x128x256xf32, #tpu.memory_space<vmem>> -> memref<128x256xf32, #tpu.memory_space<vmem>>
    %dma_start3A_422 = arith.constant 0 : i32
    %dma_start3A_423 = tpu.memref_slice %arg7[%add3A_415, %dma_start3A_422] : memref<32768x256xf32, #tpu.memory_space<hbm>> -> memref<128x256xf32, #tpu.memory_space<hbm>>
    %dma_start3A_424 = tpu.memref_slice %arg17[%dma_start3A_417] : memref<3x!tpu.dma_semaphore, #tpu.memory_space<semaphore_mem>> -> memref<1x!tpu.dma_semaphore, #tpu.memory_space<semaphore_mem>>
    %dma_start3A_425 = tpu.memref_squeeze %dma_start3A_424 : memref<1x!tpu.dma_semaphore, #tpu.memory_space<semaphore_mem>> -> memref<!tpu.dma_semaphore, #tpu.memory_space<semaphore_mem>>
    %dma_start3A_426 = arith.constant 0 : i32
    %dma_start3A_427 = tpu.memref_slice %arg7[%add3A_415, %dma_start3A_426] : memref<32768x256xf32, #tpu.memory_space<hbm>> -> memref<128x256xf32, #tpu.memory_space<hbm>>
    %dma_start3A_428 = arith.constant 0 : i32
    %dma_start3A_429 = arith.constant 0 : i32
    %dma_start3A_430 = tpu.memref_slice %arg15[%dma_start3A_416, %dma_start3A_428, %dma_start3A_429] : memref<3x128x256xf32, #tpu.memory_space<vmem>> -> memref<1x128x256xf32, #tpu.memory_space<vmem>>
    %dma_start3A_431 = tpu.memref_squeeze %dma_start3A_430 : memref<1x128x256xf32, #tpu.memory_space<vmem>> -> memref<128x256xf32, #tpu.memory_space<vmem>>
    tpu.enqueue_dma source(%dma_start3A_431 : memref<128x256xf32, #tpu.memory_space<vmem>>) target(%dma_start3A_427 : memref<128x256xf32, #tpu.memory_space<hbm>>) target_semaphore(%dma_start3A_425 : memref<!tpu.dma_semaphore, #tpu.memory_space<semaphore_mem>>)
    %scan3A_432 = arith.constant 0 : i32
    %scan3A_433 = arith.constant 0 : i32
    %scan3A_434 = arith.constant 8 : i32
    %scan3A_435 = arith.addi %scan3A_433, %scan3A_434 : i32
    %scan3A_436 = arith.constant 1 : i32
    %scan3A_437 = scf.for %scan3A_582 = %scan3A_433 to %scan3A_435 step %scan3A_436 iter_args(%scan3A_583 = %scan3A_432) -> (i32)  : i32 {
      %mul3A_584 = arith.constant 16 : i32
      %mul3A_585 = arith.muli %scan3A_582, %mul3A_584 : i32
      %add3A_586 = arith.constant 896 : i32
      %add3A_587 = arith.addi %add3A_586, %mul3A_585 : i32
      %get3A = arith.index_cast %add3A_587 : i32 to index
      %get3A_588 = tpu.vector_load %arg12[%get3A] {strides = array<i32>} : memref<1024xi32, #tpu.memory_space<vmem>>, vector<16xi32>,
      %gather3A = tpu.vector_load_idx %arg10[%get3A_588] : memref<512xi32, #tpu.memory_space<vmem>>[vector<16xi32>], vector<16xi32>,
      %gather3A_589 = tpu.vector_load_idx %arg14[%gather3A] : memref<16xi32, #tpu.memory_space<vmem>>[vector<16xi32>], vector<16xi32>,
      %get3A_590 = arith.index_cast %add3A_587 : i32 to index
      %get3A_591 = tpu.vector_load %arg11[%get3A_590] {strides = array<i32>} : memref<1024xi32, #tpu.memory_space<vmem>>, vector<16xi32>,
      %add3A_592 = arith.addi %get3A_591, %gather3A_589 : vector<16xi32>
      %min3A = arith.constant 16383 : i32
      %min3A_593 = vector.broadcast %min3A : i32 to vector<16xi32>
      %min3A_594 = arith.minsi %add3A_592, %min3A_593 : vector<16xi32>
      %swap3A_595 = arith.index_cast %add3A_587 : i32 to index
      %swap3A_596 = tpu.vector_load %arg13[%swap3A_595] {strides = array<i32>} : memref<1024xi32, #tpu.memory_space<vmem>>, vector<16xi32>,
      tpu.vector_store %arg13[%swap3A_595], %min3A_594 {strides = array<i32>} : memref<1024xi32, #tpu.memory_space<vmem>>, vector<16xi32>,
      %scan3A_597 = arith.constant 0 : i32
      scf.yield %scan3A_597 : i32
    }
    %scan3A_438 = arith.constant 8 : i32
    %dma_wait3A_439 = arith.constant 1 : i32
    %dma_wait3A_440 = arith.constant 1 : i32
    %dma_wait3A_441 = arith.constant 0 : i32
    %dma_wait3A_442 = arith.constant 0 : i32
    %dma_wait3A_443 = tpu.memref_slice %arg15[%dma_wait3A_439, %dma_wait3A_441, %dma_wait3A_442] : memref<3x128x256xf32, #tpu.memory_space<vmem>> -> memref<1x128x256xf32, #tpu.memory_space<vmem>>
    %dma_wait3A_444 = tpu.memref_squeeze %dma_wait3A_443 : memref<1x128x256xf32, #tpu.memory_space<vmem>> -> memref<128x256xf32, #tpu.memory_space<vmem>>
    %dma_wait3A_445 = arith.constant 0 : i32
    %dma_wait3A_446 = tpu.memref_slice %arg7[%add3A_348, %dma_wait3A_445] : memref<32768x256xf32, #tpu.memory_space<hbm>> -> memref<128x256xf32, #tpu.memory_space<hbm>>
    %dma_wait3A_447 = tpu.memref_slice %arg17[%dma_wait3A_440] : memref<3x!tpu.dma_semaphore, #tpu.memory_space<semaphore_mem>> -> memref<1x!tpu.dma_semaphore, #tpu.memory_space<semaphore_mem>>
    %dma_wait3A_448 = tpu.memref_squeeze %dma_wait3A_447 : memref<1x!tpu.dma_semaphore, #tpu.memory_space<semaphore_mem>> -> memref<!tpu.dma_semaphore, #tpu.memory_space<semaphore_mem>>
    %dma_wait3A_449 = arith.constant 0 : i32
    %dma_wait3A_450 = tpu.memref_slice %arg7[%add3A_348, %dma_wait3A_449] : memref<32768x256xf32, #tpu.memory_space<hbm>> -> memref<128x256xf32, #tpu.memory_space<hbm>>
    %dma_wait3A_451 = arith.constant 0 : i32
    %dma_wait3A_452 = arith.constant 0 : i32
    %dma_wait3A_453 = tpu.memref_slice %arg15[%dma_wait3A_439, %dma_wait3A_451, %dma_wait3A_452] : memref<3x128x256xf32, #tpu.memory_space<vmem>> -> memref<1x128x256xf32, #tpu.memory_space<vmem>>
    %dma_wait3A_454 = tpu.memref_squeeze %dma_wait3A_453 : memref<1x128x256xf32, #tpu.memory_space<vmem>> -> memref<128x256xf32, #tpu.memory_space<vmem>>
    tpu.wait_dma2 semaphore(%dma_wait3A_448 : memref<!tpu.dma_semaphore, #tpu.memory_space<semaphore_mem>>) src(%dma_wait3A_454 : memref<128x256xf32, #tpu.memory_space<vmem>>) dst(%dma_wait3A_450 : memref<128x256xf32, #tpu.memory_space<hbm>>)
    %dma_start3A_455 = arith.constant 1 : i32
    %dma_start3A_456 = arith.constant 1 : i32
    %dma_start3A_457 = arith.constant 0 : i32
    %dma_start3A_458 = arith.constant 0 : i32
    %dma_start3A_459 = tpu.memref_slice %arg15[%dma_start3A_455, %dma_start3A_457, %dma_start3A_458] : memref<3x128x256xf32, #tpu.memory_space<vmem>> -> memref<1x128x256xf32, #tpu.memory_space<vmem>>
    %dma_start3A_460 = tpu.memref_squeeze %dma_start3A_459 : memref<1x128x256xf32, #tpu.memory_space<vmem>> -> memref<128x256xf32, #tpu.memory_space<vmem>>
    %dma_start3A_461 = arith.constant 896 : i32
    %dma_start3A_462 = tpu.memref_slice %arg13[%dma_start3A_461] : memref<1024xi32, #tpu.memory_space<vmem>> -> memref<128xi32, #tpu.memory_space<vmem>>
    %dma_start3A_463 = arith.constant 0 : i32
    %dma_start3A_464 = arith.constant 0 : i32
    %dma_start3A_465 = tpu.memref_slice %arg2[%dma_start3A_463, %dma_start3A_464] : memref<16384x256xf32, #tpu.memory_space<hbm>> -> memref<16384x256xf32, #tpu.memory_space<hbm>>
    %dma_start3A_466 = tpu.memref_slice %arg16[%dma_start3A_456] : memref<3x!tpu.dma_semaphore, #tpu.memory_space<semaphore_mem>> -> memref<1x!tpu.dma_semaphore, #tpu.memory_space<semaphore_mem>>
    %dma_start3A_467 = tpu.memref_squeeze %dma_start3A_466 : memref<1x!tpu.dma_semaphore, #tpu.memory_space<semaphore_mem>> -> memref<!tpu.dma_semaphore, #tpu.memory_space<semaphore_mem>>
    tpu.enqueue_indirect_dma source(%dma_start3A_465 : memref<16384x256xf32, #tpu.memory_space<hbm>>) target(%dma_start3A_460 : memref<128x256xf32, #tpu.memory_space<vmem>>) offsets(%dma_start3A_462 : memref<128xi32, #tpu.memory_space<vmem>>) semaphore(%dma_start3A_467 : memref<!tpu.dma_semaphore, #tpu.memory_space<semaphore_mem>>)
    %dma_wait3A_468 = arith.constant 0 : i32
    %dma_wait3A_469 = arith.constant 0 : i32
    %dma_wait3A_470 = arith.constant 0 : i32
    %dma_wait3A_471 = arith.constant 0 : i32
    %dma_wait3A_472 = tpu.memref_slice %arg15[%dma_wait3A_468, %dma_wait3A_470, %dma_wait3A_471] : memref<3x128x256xf32, #tpu.memory_space<vmem>> -> memref<1x128x256xf32, #tpu.memory_space<vmem>>
    %dma_wait3A_473 = tpu.memref_squeeze %dma_wait3A_472 : memref<1x128x256xf32, #tpu.memory_space<vmem>> -> memref<128x256xf32, #tpu.memory_space<vmem>>
    %dma_wait3A_474 = arith.constant 768 : i32
    %dma_wait3A_475 = tpu.memref_slice %arg13[%dma_wait3A_474] : memref<1024xi32, #tpu.memory_space<vmem>> -> memref<128xi32, #tpu.memory_space<vmem>>
    %dma_wait3A_476 = arith.constant 0 : i32
    %dma_wait3A_477 = arith.constant 0 : i32
    %dma_wait3A_478 = tpu.memref_slice %arg2[%dma_wait3A_476, %dma_wait3A_477] : memref<16384x256xf32, #tpu.memory_space<hbm>> -> memref<16384x256xf32, #tpu.memory_space<hbm>>
    %dma_wait3A_479 = tpu.memref_slice %arg16[%dma_wait3A_469] : memref<3x!tpu.dma_semaphore, #tpu.memory_space<semaphore_mem>> -> memref<1x!tpu.dma_semaphore, #tpu.memory_space<semaphore_mem>>
    %dma_wait3A_480 = tpu.memref_squeeze %dma_wait3A_479 : memref<1x!tpu.dma_semaphore, #tpu.memory_space<semaphore_mem>> -> memref<!tpu.dma_semaphore, #tpu.memory_space<semaphore_mem>>
    tpu.wait_indirect_dma semaphore(%dma_wait3A_480 : memref<!tpu.dma_semaphore, #tpu.memory_space<semaphore_mem>>) src(%dma_wait3A_478 : memref<16384x256xf32, #tpu.memory_space<hbm>>) dst(%dma_wait3A_473 : memref<128x256xf32, #tpu.memory_space<vmem>>)
    %add3A_481 = arith.constant 768 : i32
    %add3A_482 = arith.addi %mul3A_2, %add3A_481 : i32
    %dma_start3A_483 = arith.constant 0 : i32
    %dma_start3A_484 = arith.constant 0 : i32
    %dma_start3A_485 = arith.constant 0 : i32
    %dma_start3A_486 = arith.constant 0 : i32
    %dma_start3A_487 = tpu.memref_slice %arg15[%dma_start3A_483, %dma_start3A_485, %dma_start3A_486] : memref<3x128x256xf32, #tpu.memory_space<vmem>> -> memref<1x128x256xf32, #tpu.memory_space<vmem>>
    %dma_start3A_488 = tpu.memref_squeeze %dma_start3A_487 : memref<1x128x256xf32, #tpu.memory_space<vmem>> -> memref<128x256xf32, #tpu.memory_space<vmem>>
    %dma_start3A_489 = arith.constant 0 : i32
    %dma_start3A_490 = tpu.memref_slice %arg7[%add3A_482, %dma_start3A_489] : memref<32768x256xf32, #tpu.memory_space<hbm>> -> memref<128x256xf32, #tpu.memory_space<hbm>>
    %dma_start3A_491 = tpu.memref_slice %arg17[%dma_start3A_484] : memref<3x!tpu.dma_semaphore, #tpu.memory_space<semaphore_mem>> -> memref<1x!tpu.dma_semaphore, #tpu.memory_space<semaphore_mem>>
    %dma_start3A_492 = tpu.memref_squeeze %dma_start3A_491 : memref<1x!tpu.dma_semaphore, #tpu.memory_space<semaphore_mem>> -> memref<!tpu.dma_semaphore, #tpu.memory_space<semaphore_mem>>
    %dma_start3A_493 = arith.constant 0 : i32
    %dma_start3A_494 = tpu.memref_slice %arg7[%add3A_482, %dma_start3A_493] : memref<32768x256xf32, #tpu.memory_space<hbm>> -> memref<128x256xf32, #tpu.memory_space<hbm>>
    %dma_start3A_495 = arith.constant 0 : i32
    %dma_start3A_496 = arith.constant 0 : i32
    %dma_start3A_497 = tpu.memref_slice %arg15[%dma_start3A_483, %dma_start3A_495, %dma_start3A_496] : memref<3x128x256xf32, #tpu.memory_space<vmem>> -> memref<1x128x256xf32, #tpu.memory_space<vmem>>
    %dma_start3A_498 = tpu.memref_squeeze %dma_start3A_497 : memref<1x128x256xf32, #tpu.memory_space<vmem>> -> memref<128x256xf32, #tpu.memory_space<vmem>>
    tpu.enqueue_dma source(%dma_start3A_498 : memref<128x256xf32, #tpu.memory_space<vmem>>) target(%dma_start3A_494 : memref<128x256xf32, #tpu.memory_space<hbm>>) target_semaphore(%dma_start3A_492 : memref<!tpu.dma_semaphore, #tpu.memory_space<semaphore_mem>>)
    %dma_wait3A_499 = arith.constant 1 : i32
    %dma_wait3A_500 = arith.constant 1 : i32
    %dma_wait3A_501 = arith.constant 0 : i32
    %dma_wait3A_502 = arith.constant 0 : i32
    %dma_wait3A_503 = tpu.memref_slice %arg15[%dma_wait3A_499, %dma_wait3A_501, %dma_wait3A_502] : memref<3x128x256xf32, #tpu.memory_space<vmem>> -> memref<1x128x256xf32, #tpu.memory_space<vmem>>
    %dma_wait3A_504 = tpu.memref_squeeze %dma_wait3A_503 : memref<1x128x256xf32, #tpu.memory_space<vmem>> -> memref<128x256xf32, #tpu.memory_space<vmem>>
    %dma_wait3A_505 = arith.constant 896 : i32
    %dma_wait3A_506 = tpu.memref_slice %arg13[%dma_wait3A_505] : memref<1024xi32, #tpu.memory_space<vmem>> -> memref<128xi32, #tpu.memory_space<vmem>>
    %dma_wait3A_507 = arith.constant 0 : i32
    %dma_wait3A_508 = arith.constant 0 : i32
    %dma_wait3A_509 = tpu.memref_slice %arg2[%dma_wait3A_507, %dma_wait3A_508] : memref<16384x256xf32, #tpu.memory_space<hbm>> -> memref<16384x256xf32, #tpu.memory_space<hbm>>
    %dma_wait3A_510 = tpu.memref_slice %arg16[%dma_wait3A_500] : memref<3x!tpu.dma_semaphore, #tpu.memory_space<semaphore_mem>> -> memref<1x!tpu.dma_semaphore, #tpu.memory_space<semaphore_mem>>
    %dma_wait3A_511 = tpu.memref_squeeze %dma_wait3A_510 : memref<1x!tpu.dma_semaphore, #tpu.memory_space<semaphore_mem>> -> memref<!tpu.dma_semaphore, #tpu.memory_space<semaphore_mem>>
    tpu.wait_indirect_dma semaphore(%dma_wait3A_511 : memref<!tpu.dma_semaphore, #tpu.memory_space<semaphore_mem>>) src(%dma_wait3A_509 : memref<16384x256xf32, #tpu.memory_space<hbm>>) dst(%dma_wait3A_504 : memref<128x256xf32, #tpu.memory_space<vmem>>)
    %add3A_512 = arith.constant 896 : i32
    %add3A_513 = arith.addi %mul3A_2, %add3A_512 : i32
    %dma_start3A_514 = arith.constant 1 : i32
    %dma_start3A_515 = arith.constant 1 : i32
    %dma_start3A_516 = arith.constant 0 : i32
    %dma_start3A_517 = arith.constant 0 : i32
    %dma_start3A_518 = tpu.memref_slice %arg15[%dma_start3A_514, %dma_start3A_516, %dma_start3A_517] : memref<3x128x256xf32, #tpu.memory_space<vmem>> -> memref<1x128x256xf32, #tpu.memory_space<vmem>>
    %dma_start3A_519 = tpu.memref_squeeze %dma_start3A_518 : memref<1x128x256xf32, #tpu.memory_space<vmem>> -> memref<128x256xf32, #tpu.memory_space<vmem>>
    %dma_start3A_520 = arith.constant 0 : i32
    %dma_start3A_521 = tpu.memref_slice %arg7[%add3A_513, %dma_start3A_520] : memref<32768x256xf32, #tpu.memory_space<hbm>> -> memref<128x256xf32, #tpu.memory_space<hbm>>
    %dma_start3A_522 = tpu.memref_slice %arg17[%dma_start3A_515] : memref<3x!tpu.dma_semaphore, #tpu.memory_space<semaphore_mem>> -> memref<1x!tpu.dma_semaphore, #tpu.memory_space<semaphore_mem>>
    %dma_start3A_523 = tpu.memref_squeeze %dma_start3A_522 : memref<1x!tpu.dma_semaphore, #tpu.memory_space<semaphore_mem>> -> memref<!tpu.dma_semaphore, #tpu.memory_space<semaphore_mem>>
    %dma_start3A_524 = arith.constant 0 : i32
    %dma_start3A_525 = tpu.memref_slice %arg7[%add3A_513, %dma_start3A_524] : memref<32768x256xf32, #tpu.memory_space<hbm>> -> memref<128x256xf32, #tpu.memory_space<hbm>>
    %dma_start3A_526 = arith.constant 0 : i32
    %dma_start3A_527 = arith.constant 0 : i32
    %dma_start3A_528 = tpu.memref_slice %arg15[%dma_start3A_514, %dma_start3A_526, %dma_start3A_527] : memref<3x128x256xf32, #tpu.memory_space<vmem>> -> memref<1x128x256xf32, #tpu.memory_space<vmem>>
    %dma_start3A_529 = tpu.memref_squeeze %dma_start3A_528 : memref<1x128x256xf32, #tpu.memory_space<vmem>> -> memref<128x256xf32, #tpu.memory_space<vmem>>
    tpu.enqueue_dma source(%dma_start3A_529 : memref<128x256xf32, #tpu.memory_space<vmem>>) target(%dma_start3A_525 : memref<128x256xf32, #tpu.memory_space<hbm>>) target_semaphore(%dma_start3A_523 : memref<!tpu.dma_semaphore, #tpu.memory_space<semaphore_mem>>)
    %dma_start3A_530 = tpu.memref_slice %arg8[%mul3A_2] : memref<32768xi32, #tpu.memory_space<hbm>> -> memref<1024xi32, #tpu.memory_space<hbm>>
    %dma_start3A_531 = tpu.memref_slice %arg8[%mul3A_2] : memref<32768xi32, #tpu.memory_space<hbm>> -> memref<1024xi32, #tpu.memory_space<hbm>>
    tpu.enqueue_dma source(%arg13 : memref<1024xi32, #tpu.memory_space<vmem>>) target(%dma_start3A_531 : memref<1024xi32, #tpu.memory_space<hbm>>) target_semaphore(%arg18 : memref<!tpu.dma_semaphore, #tpu.memory_space<semaphore_mem>>)
    %dma_wait3A_532 = arith.constant 2 : i32
    %dma_wait3A_533 = arith.constant 2 : i32
    %dma_wait3A_534 = arith.constant 0 : i32
    %dma_wait3A_535 = arith.constant 0 : i32
    %dma_wait3A_536 = tpu.memref_slice %arg15[%dma_wait3A_532, %dma_wait3A_534, %dma_wait3A_535] : memref<3x128x256xf32, #tpu.memory_space<vmem>> -> memref<1x128x256xf32, #tpu.memory_space<vmem>>
    %dma_wait3A_537 = tpu.memref_squeeze %dma_wait3A_536 : memref<1x128x256xf32, #tpu.memory_space<vmem>> -> memref<128x256xf32, #tpu.memory_space<vmem>>
    %dma_wait3A_538 = arith.constant 0 : i32
    %dma_wait3A_539 = tpu.memref_slice %arg7[%add3A_415, %dma_wait3A_538] : memref<32768x256xf32, #tpu.memory_space<hbm>> -> memref<128x256xf32, #tpu.memory_space<hbm>>
    %dma_wait3A_540 = tpu.memref_slice %arg17[%dma_wait3A_533] : memref<3x!tpu.dma_semaphore, #tpu.memory_space<semaphore_mem>> -> memref<1x!tpu.dma_semaphore, #tpu.memory_space<semaphore_mem>>
    %dma_wait3A_541 = tpu.memref_squeeze %dma_wait3A_540 : memref<1x!tpu.dma_semaphore, #tpu.memory_space<semaphore_mem>> -> memref<!tpu.dma_semaphore, #tpu.memory_space<semaphore_mem>>
    %dma_wait3A_542 = arith.constant 0 : i32
    %dma_wait3A_543 = tpu.memref_slice %arg7[%add3A_415, %dma_wait3A_542] : memref<32768x256xf32, #tpu.memory_space<hbm>> -> memref<128x256xf32, #tpu.memory_space<hbm>>
    %dma_wait3A_544 = arith.constant 0 : i32
    %dma_wait3A_545 = arith.constant 0 : i32
    %dma_wait3A_546 = tpu.memref_slice %arg15[%dma_wait3A_532, %dma_wait3A_544, %dma_wait3A_545] : memref<3x128x256xf32, #tpu.memory_space<vmem>> -> memref<1x128x256xf32, #tpu.memory_space<vmem>>
    %dma_wait3A_547 = tpu.memref_squeeze %dma_wait3A_546 : memref<1x128x256xf32, #tpu.memory_space<vmem>> -> memref<128x256xf32, #tpu.memory_space<vmem>>
    tpu.wait_dma2 semaphore(%dma_wait3A_541 : memref<!tpu.dma_semaphore, #tpu.memory_space<semaphore_mem>>) src(%dma_wait3A_547 : memref<128x256xf32, #tpu.memory_space<vmem>>) dst(%dma_wait3A_543 : memref<128x256xf32, #tpu.memory_space<hbm>>)
    %dma_wait3A_548 = arith.constant 0 : i32
    %dma_wait3A_549 = arith.constant 0 : i32
    %dma_wait3A_550 = arith.constant 0 : i32
    %dma_wait3A_551 = arith.constant 0 : i32
    %dma_wait3A_552 = tpu.memref_slice %arg15[%dma_wait3A_548, %dma_wait3A_550, %dma_wait3A_551] : memref<3x128x256xf32, #tpu.memory_space<vmem>> -> memref<1x128x256xf32, #tpu.memory_space<vmem>>
    %dma_wait3A_553 = tpu.memref_squeeze %dma_wait3A_552 : memref<1x128x256xf32, #tpu.memory_space<vmem>> -> memref<128x256xf32, #tpu.memory_space<vmem>>
    %dma_wait3A_554 = arith.constant 0 : i32
    %dma_wait3A_555 = tpu.memref_slice %arg7[%add3A_482, %dma_wait3A_554] : memref<32768x256xf32, #tpu.memory_space<hbm>> -> memref<128x256xf32, #tpu.memory_space<hbm>>
    %dma_wait3A_556 = tpu.memref_slice %arg17[%dma_wait3A_549] : memref<3x!tpu.dma_semaphore, #tpu.memory_space<semaphore_mem>> -> memref<1x!tpu.dma_semaphore, #tpu.memory_space<semaphore_mem>>
    %dma_wait3A_557 = tpu.memref_squeeze %dma_wait3A_556 : memref<1x!tpu.dma_semaphore, #tpu.memory_space<semaphore_mem>> -> memref<!tpu.dma_semaphore, #tpu.memory_space<semaphore_mem>>
    %dma_wait3A_558 = arith.constant 0 : i32
    %dma_wait3A_559 = tpu.memref_slice %arg7[%add3A_482, %dma_wait3A_558] : memref<32768x256xf32, #tpu.memory_space<hbm>> -> memref<128x256xf32, #tpu.memory_space<hbm>>
    %dma_wait3A_560 = arith.constant 0 : i32
    %dma_wait3A_561 = arith.constant 0 : i32
    %dma_wait3A_562 = tpu.memref_slice %arg15[%dma_wait3A_548, %dma_wait3A_560, %dma_wait3A_561] : memref<3x128x256xf32, #tpu.memory_space<vmem>> -> memref<1x128x256xf32, #tpu.memory_space<vmem>>
    %dma_wait3A_563 = tpu.memref_squeeze %dma_wait3A_562 : memref<1x128x256xf32, #tpu.memory_space<vmem>> -> memref<128x256xf32, #tpu.memory_space<vmem>>
    tpu.wait_dma2 semaphore(%dma_wait3A_557 : memref<!tpu.dma_semaphore, #tpu.memory_space<semaphore_mem>>) src(%dma_wait3A_563 : memref<128x256xf32, #tpu.memory_space<vmem>>) dst(%dma_wait3A_559 : memref<128x256xf32, #tpu.memory_space<hbm>>)
    %dma_wait3A_564 = arith.constant 1 : i32
    %dma_wait3A_565 = arith.constant 1 : i32
    %dma_wait3A_566 = arith.constant 0 : i32
    %dma_wait3A_567 = arith.constant 0 : i32
    %dma_wait3A_568 = tpu.memref_slice %arg15[%dma_wait3A_564, %dma_wait3A_566, %dma_wait3A_567] : memref<3x128x256xf32, #tpu.memory_space<vmem>> -> memref<1x128x256xf32, #tpu.memory_space<vmem>>
    %dma_wait3A_569 = tpu.memref_squeeze %dma_wait3A_568 : memref<1x128x256xf32, #tpu.memory_space<vmem>> -> memref<128x256xf32, #tpu.memory_space<vmem>>
    %dma_wait3A_570 = arith.constant 0 : i32
    %dma_wait3A_571 = tpu.memref_slice %arg7[%add3A_513, %dma_wait3A_570] : memref<32768x256xf32, #tpu.memory_space<hbm>> -> memref<128x256xf32, #tpu.memory_space<hbm>>
    %dma_wait3A_572 = tpu.memref_slice %arg17[%dma_wait3A_565] : memref<3x!tpu.dma_semaphore, #tpu.memory_space<semaphore_mem>> -> memref<1x!tpu.dma_semaphore, #tpu.memory_space<semaphore_mem>>
    %dma_wait3A_573 = tpu.memref_squeeze %dma_wait3A_572 : memref<1x!tpu.dma_semaphore, #tpu.memory_space<semaphore_mem>> -> memref<!tpu.dma_semaphore, #tpu.memory_space<semaphore_mem>>
    %dma_wait3A_574 = arith.constant 0 : i32
    %dma_wait3A_575 = tpu.memref_slice %arg7[%add3A_513, %dma_wait3A_574] : memref<32768x256xf32, #tpu.memory_space<hbm>> -> memref<128x256xf32, #tpu.memory_space<hbm>>
    %dma_wait3A_576 = arith.constant 0 : i32
    %dma_wait3A_577 = arith.constant 0 : i32
    %dma_wait3A_578 = tpu.memref_slice %arg15[%dma_wait3A_564, %dma_wait3A_576, %dma_wait3A_577] : memref<3x128x256xf32, #tpu.memory_space<vmem>> -> memref<1x128x256xf32, #tpu.memory_space<vmem>>
    %dma_wait3A_579 = tpu.memref_squeeze %dma_wait3A_578 : memref<1x128x256xf32, #tpu.memory_space<vmem>> -> memref<128x256xf32, #tpu.memory_space<vmem>>
    tpu.wait_dma2 semaphore(%dma_wait3A_573 : memref<!tpu.dma_semaphore, #tpu.memory_space<semaphore_mem>>) src(%dma_wait3A_579 : memref<128x256xf32, #tpu.memory_space<vmem>>) dst(%dma_wait3A_575 : memref<128x256xf32, #tpu.memory_space<hbm>>)
    %dma_wait3A_580 = tpu.memref_slice %arg8[%mul3A_2] : memref<32768xi32, #tpu.memory_space<hbm>> -> memref<1024xi32, #tpu.memory_space<hbm>>
    %dma_wait3A_581 = tpu.memref_slice %arg8[%mul3A_2] : memref<32768xi32, #tpu.memory_space<hbm>> -> memref<1024xi32, #tpu.memory_space<hbm>>
    tpu.wait_dma2 semaphore(%arg18 : memref<!tpu.dma_semaphore, #tpu.memory_space<semaphore_mem>>) src(%arg13 : memref<1024xi32, #tpu.memory_space<vmem>>) dst(%dma_wait3A_581 : memref<1024xi32, #tpu.memory_space<hbm>>)
    return
  }
}

</mosaic_0001>

<sc_bundles>
// kernel: kernel.3.cloned.1.call-start
scs
__scs_entry_jumppad:
0x0: {  	(pc) =	sbr.rel $0x88, $3  }
0x1: {  	(tag) =	ssettag $0x0;
	lr =	simm.s32 $0x1  }
0x2: {  	[smem:$0x3F9C] =	sst lr;
	_ =	strace $0xD0000000  }
0x3: {  	_ = 	snop  }
0x4: {  	_ = 	snop  }
0x5: {  	_ = 	snop  }
0x6: {  	_ = 	snop  }
0x7: {  	_ = 	snop  }
__scs_overlays_trampoline_lowered:
0x8: {  	[smem:$0x3FAB] =	sst s0  }
0x9: {  	[smem:$0x3FAC] =	sst s1  }
0xa: {  	[smem:$0x3FAD] =	sst s2  }
0xb: {  	[smem:$0x3FAE] =	sst s3  }
0xc: {  	[smem:$0x3FAF] =	sst s4  }
0xd: {  	[smem:$0x3FB0] =	sst s5  }
0xe: {  	[smem:$0x3FB1] =	sst s6  }
0xf: {  	[smem:$0x3FB2] =	sst s7  }
0x10: {  	[smem:$0x3FB3] =	sst s8  }
0x11: {  	[smem:$0x3FB4] =	sst s9;
	s0 =	simm.s32 @!p0 $0x0  }
0x12: {  	s1 =	sld [smem:$0x3F9A];
	s0 =	simm.s32 @p0 $0x1  }
0x13: {  	[smem:$0x3FB5] =	sst s0;
	s0 =	simm.s32 @!p1 $0x0  }
0x14: {  	s2 =	sld [smem:$0x3F99];
	s0 =	simm.s32 @p1 $0x1  }
0x15: {  	[smem:$0x3FB6] =	sst s0;
	s0 =	simm.s32 @!p2 $0x0  }
0x16: {  	s3 =	sld [smem:$0x3FDB];
	s0 =	simm.s32 @p2 $0x1  }
0x17: {  	s4 =	simm.s32 $0x1BF5;
	[smem:$0x3FB8] =	sst s0  }
0x18: {  	s0 =	sld [smem:$0x3F9B];
	_ =	swait.ge [sflag:s4], $0x0  }
0x19: {  	s7 =	sld [smem:$0x3F9C]  }
0x1a: {  	s8 =	sadd.s32 $0xFFFFE003, lr  }
0x1b: {  	s9 =	sadd.s32 $0xFFFFFEF7, lr;
	s5 =	simm.s32 $0xFFFFFFFF;
	p2 =	slt.u32 s8, $0xFFFFF086  }
0x1c: {  	p1 =	slt.u32 s9, $0xF7A;
	s5 =	simm.s32 @!p2 $0x0  }
0x1d: {  	s5 =	simm.s32 @p1 $0x1;
	p0 =	seq.s32 s7, s2  }
0x1e: {  	s7 =	smul.u32 @!p0 $0xF7A, s2;
	p2 =	seq.s32 @!p0 s5, $0x0  }
0x1f: {  	s9 =	smul.u32 $0xF7A, s1;
	s8 =	simm.s32 @!p0 $0x1BF5;
	p2 =	por !p2, p0  }
0x20: {  	[sflag:s8] =	ssyncset.s32 @!p0 $0xFFFFF086;
	s6 =	sadd.s32 @!p0 s3, s7;
	s7 =	simm.s32 @!p0 $0x108  }
0x21: {  	s3 =	sadd.s32 s3, s9;
	s6 =	sadd.s32 @!p0 $0x88, s6;
	s7 =	simm.s32 @p2 $0x1082  }
0x22: {  	[simem:s7], [sflag:s8] =	dma.local @!p0 [hbm:s6], $0xF7A  }
0x23: {  	s9 =	sor.u32 $0xD0000000, s2;
	s6 =	simm.s32 $0x108;
	_ =	swait.ge @!p0 [sflag:s8], $0x0  }
0x24: {  	s3 =	sadd.s32 $0x88, s3;
	s6 =	simm.s32 @!p1 $0x1082;
	[sflag:s4] =	ssyncset.s32 $0xFFFFF086  }
0x25: {  	[simem:s6], [sflag:s4] =	dma.local [hbm:s3], $0xF7A  }
0x26: {  	[smem:$0x3F9C] =	sst s1;
	(tag) =	ssettag s2;
	_ =	strace s9  }
0x27: {  	s1 =	sld [smem:$0x3FAC]  }
0x28: {  	s2 =	sld [smem:$0x3FAD]  }
0x29: {  	s4 =	sld [smem:$0x3FAF]  }
0x2a: {  	p0 =	seq.s32 s5, $0x0;
	s5 =	sld [smem:$0x3FB0]  }
0x2b: {  	s6 =	sld [smem:$0x3FB1]  }
0x2c: {  	s7 =	sld [smem:$0x3FB2]  }
0x2d: {  	s3 =	simm.s32 $0x108;
	s8 =	sld [smem:$0x3FB3]  }
0x2e: {  	s3 =	simm.s32 @!p0 $0x1082;
	s9 =	sld [smem:$0x3FB4]  }
0x2f: {  	lr =	sadd.s32 s0, s3;
	s0 =	sld [smem:$0x3FAB]  }
0x30: {  	s3 =	sld [smem:$0x3FAE]  }
0x31: {  	[smem:$0x3FB7] =	sst s10  }
0x32: {  	s10 =	sld [smem:$0x3FB5];
	_ =	sdelay $0x3  }
0x33: {  	p0 =	seq.s32 s10, $0x1;
	s10 =	sld [smem:$0x3FB7];
	_ =	sdelay $0x3  }
0x34: {  	[smem:$0x3FB7] =	sst s10  }
0x35: {  	s10 =	sld [smem:$0x3FB6];
	_ =	sdelay $0x3  }
0x36: {  	p1 =	seq.s32 s10, $0x1;
	s10 =	sld [smem:$0x3FB7];
	_ =	sdelay $0x3  }
0x37: {  	[smem:$0x3FB7] =	sst s10  }
0x38: {  	s10 =	sld [smem:$0x3FB8]  }
0x39: {  	_ = 	snop;
	(pc) =	sbr.ind lr, $3  }
0x3a: {  	_ = 	snop  }
0x3b: {  	_ = 	snop  }
0x3c: {  	p2 =	seq.s32 s10, $0x1;
	s10 =	sld [smem:$0x3FB7]  }
0x3d: {  	_ =	shalt  }
0x3e: {  	_ =	shalt  }
0x3f: {  	_ =	shalt  }
0x40: {  	_ =	shalt  }
0x41: {  	_ =	shalt  }
0x42: {  	_ =	shalt  }
0x43: {  	_ =	shalt  }
0x44: {  	_ =	shalt  }
0x45: {  	_ =	shalt  }
0x46: {  	_ =	shalt  }
0x47: {  	_ =	shalt  }
0x48: {  	_ =	shalt  }
0x49: {  	_ =	shalt  }
0x4a: {  	_ =	shalt  }
0x4b: {  	_ =	shalt  }
0x4c: {  	_ =	shalt  }
0x4d: {  	_ =	shalt  }
0x4e: {  	_ =	shalt  }
0x4f: {  	_ =	shalt  }
0x50: {  	_ =	shalt  }
0x51: {  	_ =	shalt  }
0x52: {  	_ =	shalt  }
0x53: {  	_ =	shalt  }
0x54: {  	_ =	shalt  }
0x55: {  	_ =	shalt  }
0x56: {  	_ =	shalt  }
0x57: {  	_ =	shalt  }
0x58: {  	_ =	shalt  }
0x59: {  	_ =	shalt  }
0x5a: {  	_ =	shalt  }
0x5b: {  	_ =	shalt  }
0x5c: {  	_ =	shalt  }
0x5d: {  	_ =	shalt  }
0x5e: {  	_ =	shalt  }
0x5f: {  	_ =	shalt  }
0x60: {  	_ =	shalt  }
0x61: {  	_ =	shalt  }
0x62: {  	_ =	shalt  }
0x63: {  	_ =	shalt  }
0x64: {  	_ =	shalt  }
0x65: {  	_ =	shalt  }
0x66: {  	_ =	shalt  }
0x67: {  	_ =	shalt  }
0x68: {  	_ =	shalt  }
0x69: {  	_ =	shalt  }
0x6a: {  	_ =	shalt  }
0x6b: {  	_ =	shalt  }
0x6c: {  	_ =	shalt  }
0x6d: {  	_ =	shalt  }
0x6e: {  	_ =	shalt  }
0x6f: {  	_ =	shalt  }
0x70: {  	_ =	shalt  }
0x71: {  	_ =	shalt  }
0x72: {  	_ =	shalt  }
0x73: {  	_ =	shalt  }
0x74: {  	_ =	shalt  }
0x75: {  	_ =	shalt  }
0x76: {  	_ =	shalt  }
0x77: {  	_ =	shalt  }
0x78: {  	_ =	shalt  }
0x79: {  	_ =	shalt  }
0x7a: {  	_ =	shalt  }
0x7b: {  	_ =	shalt  }
0x7c: {  	_ =	shalt  }
0x7d: {  	_ =	shalt  }
0x7e: {  	_ =	shalt  }
0x7f: {  	_ =	shalt  }
0x80: {  	_ =	shalt  }
0x81: {  	_ =	shalt  }
0x82: {  	_ =	shalt  }
0x83: {  	_ =	shalt  }
0x84: {  	_ =	shalt  }
0x85: {  	_ =	shalt  }
0x86: {  	_ =	shalt  }
0x87: {  	_ =	shalt  }
.Lfunc_end0:
.L_simem_size_0:
called_computation_lowered:
.L_overlay_start_0:
0x88: {  	s2 =	sld [smem:$0x3FD9]  }
0x89: {  	s3 =	sld [smem:$0x3FFE];
	_ =	sdelay $0x1  }
0x8a: {  	s1 =	srdreg.scid  }
0x8b: {  	s0 =	sand.u32 $0x1, s1  }
0x8c: {  	s15 =	sshll.u32 s0, $0xA;
	s2 =	sadd.s32 s3, s2  }
0x8d: {  	s2 =	sadd.s32 s2, s15  }
0x8e: {  	[smem:$0x3FC3] =	sst s2  }
0x8f: {  	_ = 	snop  }
0x90: {  	s2 =	sld [smem:$0x3FC9]  }
0x91: {  	s16 =	sld [smem:$0x3FC8]  }
0x92: {  	s4 =	sld [smem:$0x3FD0]  }
0x93: {  	s5 =	sld [smem:$0x3FC7]  }
0x94: {  	s6 =	sld [smem:$0x3FC6]  }
0x95: {  	s8 =	simm.s32 $0xA;
	s9 =	simm.s32 $0x10;
	s7 =	sld [smem:$0x3FC5]  }
0x96: {  	[smem:s9], [sflag:s8] =	dma.local [hbm:s4], $0x1  }
0x97: {  	_ =	swait.eq [sflag:s8], $0x1  }
0x98: {  	[sflag:s8] =	ssyncset.done $0x0  }
0x99: {  	s17 =	sld [smem:$0x10];
	[sflag:s8] =	ssyncadd.s32 $0xFFFFFFFF  }
0x9a: {  	s18 =	sld [smem:$0x11];
	(tm) =	ssettm $0x1  }
0x9b: {  	s19 =	sld [smem:$0x3FFB];
	_ =	sdelay $0x3  }
0x9c: {  	_ =	strace s19  }
0x9d: {  	s9 =	sld [smem:$0x3FFC];
	_ =	sdelay $0x3  }
0x9e: {  	_ =	strace s9  }
0x9f: {  	s9 =	sld [smem:$0x3FFD];
	_ =	sdelay $0x3  }
0xa0: {  	_ =	strace s9  }
0xa1: {  	_ =	strace $0x8FFFFFFF  }
0xa2: {  	s20 =	sld [smem:$0x3FDB];
	_ =	sdelay $0x1  }
0xa3: {  	s10 =	simm.s32 $_scs_section_size  }
0xa4: {  	s11 =	simm.s32 $_size__tile_overlayer_lowered;
	s12 =	simm.s32 $_tile_overlayer_lowered  }
0xa5: {  	s23 =	simm.s32 $0x1BFF;
	s22 =	sshll.u32 s12, $0x1;
	s9 =	sadd.s32 s10, s20  }
0xa6: {  	s13 =	simm.s32 $0x0;
	s21 =	sshll.u32 s11, $0x1;
	s11 =	sadd.s32 s22, s9  }
0xa7: {  	[timem:s13], [sflag:s23] =	dma.local [hbm:s11], s21  }
0xa8: {  	_ =	swait.ge [sflag:s23], s21  }
0xa9: {  	s10 =	ssub.s32 $0x0, s21;
	[sflag:s23] =	ssyncset.done $0x0  }
0xaa: {  	[sflag:s23] =	ssyncadd.s32 s10;
	_ =	sdelay $0x1  }
0xab: {  	s24 =	simm.s32 $0x1B8B  }
0xac: {  	_ =	swait.ge [sflag:s24], $0x1  }
0xad: {  	[sflag:s24] =	ssyncset.done $0x0  }
0xae: {  	s25 =	simm.s32 $0x1B8E;
	[sflag:s24] =	ssyncadd.s32 $0xFFFFFFFF  }
0xaf: {  	s26 =	simm.s32 $execute0_lowered;
	[smem:$0x3FD2] =	sst s25  }
0xb0: {  	s10 =	sshll.u32 s26, $0x1;
	_ =	strace $0x80000046;
	[dreg:$0x1] =	wrdreg $0xFFFFFFFF  }
0xb1: {  	s28 =	simm.s32 $_size_execute0_lowered;
	s9 =	sadd.s32 s9, s10;
	[dreg:$0x0] =	wrdreg $0x0  }
0xb2: {  	s10 =	sshll.u32 s28, $0x1;
	[dreg:$0x2] =	wrdreg s9  }
0xb3: {  	[dreg:$0x3] =	wrdreg s10  }
0xb4: {  	[dreg:$0x4] =	wrdreg $0xC0  }
0xb5: {  	_ =	task [dreg:s13], $0x5FFFF  }
0xb6: {  	[dreg:$0x1] =	wrdreg $0xFFFFFFFF  }
0xb7: {  	[dreg:$0x0] =	wrdreg $0x60  }
0xb8: {  	[dreg:$0x2] =	wrdreg s2  }
0xb9: {  	[dreg:$0x3] =	wrdreg s16  }
0xba: {  	[dreg:$0x4] =	wrdreg s5  }
0xbb: {  	[dreg:$0x5] =	wrdreg s6  }
0xbc: {  	[dreg:$0x6] =	wrdreg s7  }
0xbd: {  	[dreg:$0x7] =	wrdreg s17  }
0xbe: {  	[dreg:$0x8] =	wrdreg s18  }
0xbf: {  	[dreg:$0x9] =	wrdreg $0x9  }
0xc0: {  	_ =	task.clear_ibuf [dreg:s13], $0xAFFFF;
	_ =	strace $0x90000046  }
0xc1: {  	s29 =	simm.s32 $0x9;
	_ =	strace $0x80000048  }
0xc2: {  	_ =	swait.ge [sflag:s29], $0x1  }
0xc3: {  	[sflag:s29] =	ssyncadd.s32 $0xFFFFFFFF  }
0xc4: {  	_ =	strace $0x90000048  }
0xc5: {  	_ =	sfence  }
0xc6: {  	s30 =	sld [smem:$0x0];
	_ =	sdelay $0x2  }
0xc7: {  	s31 =	sshll.u32 s1, $0xD;
	s1 =	sshrl.u32 s1, $0x2  }
0xc8: {  	s3 =	sand.u32 $0x4000, s31;
	s1 =	sadd.s32 s1, s30  }
0xc9: {  	s0 =	sor.u32 s3, s0;
	s1 =	sshll.u32 s1, $0x11  }
0xca: {  	s0 =	sor.u32 s1, s0  }
0xcb: {  	s0 =	sadd.s32 $0x8F2B, s0  }
0xcc: {  	[sflag:s0] =	ssyncadd.remote.s32 $0x1  }
0xcd: {  	_ =	sfence.sel $0xFFFF  }
0xce: {  	[dreg:$0x0] =	wrdreg $0xFFFFFFFF;
	(pc) =	sbr.abs _section_cstart, $3  }
0xcf: {  	[dreg:$0x1] =	wrdreg $0xFFFFFFFF  }
0xd0: {  	_ =	task.clear_ibuf [dreg:s13], $0x2FFFF;
	_ =	strace $0x9FFFFFFF  }
0xd1: {  	(tm) =	ssettm $0x7FFFFFFF  }
tec
execute0_lowered:
.L_overlay_start_1:
0x0: {  	(tag) =	ssettag $0x1  }
0x1: {  	s0 =	rddreg [dreg:$0x0]  }
0x2: {  	s1 =	rddreg [dreg:$0x2]  }
0x3: {  	s2 =	rddreg [dreg:$0x3]  }
0x4: {  	s3 =	rddreg [dreg:$0x5]  }
0x5: {  	s4 =	rddreg [dreg:$0x6]  }
0x6: {  	s5 =	srdreg.scid;
	s7 =	stileid.u32;
	s31 =	simm.s32 $0x4E80  }
0x7: {  	s12 =	simm.s32 $0xCE80;
	s10 =	simm.s32 $0x0;
	s14 =	simm.s32 $0x18680  }
0x8: {  	s15 =	simm.s32 $0x18E80;
	s28 =	simm.s32 $0x1B680;
	s6 =	sand.u32 $0x1, s5  }
0x9: {  	s29 =	simm.s32 $0x1BE80;
	s7 =	sshll.u32 s7, $0xB;
	s8 =	sshll.u32 s6, $0xA  }
0xa: {  	s30 =	simm.s32 $0x1C680;
	s5 =	simm.s32 $0x0;
	s7 =	sor.u32 s8, s7  }
0xb: {  	[smem:$0x7FF] =	sst s5;
	s9 =	sshll.u32 s7, $0x5;
	s7 =	sshrl.u32 s7, $0x3  }
0xc: {  	s6 =	ssub.s32 $0x2, s6;
	_ =	strace $0x80000047;
	s1 =	sadd.s32 s1, s7  }
0xd: {  	s16 =	sshrl.u32 s6, $0x1;
	s17 =	sadd.s32 s2, s7;
	[dreg:$0x9] =	wrdreg s1  }
0xe: {  	s8 =	simm.s32 $0x6;
	s3 =	sadd.s32 s3, s9;
	[dreg:$0xa] =	wrdreg s17  }
0xf: {  	s6 =	ssub.s32 s6, s16;
	s25 =	sadd.s32 s4, s7;
	[dreg:$0x8] =	wrdreg s3  }
0x10: {  	s16 =	simm.s32 $0x19680;
	s26 =	smax.u32 s6, $0x1;
	[dreg:$0x12] =	wrdreg s25  }
0x11: {  	s7 =	simm.s32 $0x5;
	s18 =	sadd.s32 $0x1000, s3;
	[dreg:$0x13] =	wrdreg s26  }
0x12: {  	s4 =	simm.s32 $0x16680;
	s19 =	sadd.s32 $0x2000, s3;
	[dreg:$0xb] =	wrdreg s18  }
0x13: {  	s6 =	simm.s32 $0x16E80;
	s20 =	sadd.s32 $0x3000, s3;
	[dreg:$0xc] =	wrdreg s19  }
0x14: {  	s9 =	simm.s32 $0x17E80;
	s21 =	sadd.s32 $0x4000, s3;
	[dreg:$0xd] =	wrdreg s20  }
0x15: {  	s22 =	sadd.s32 $0x5000, s3;
	s23 =	sadd.s32 $0x6000, s3;
	[dreg:$0xe] =	wrdreg s21  }
0x16: {  	s24 =	sadd.s32 $0x7000, s3;
	s25 =	simm.s32 $0x4E00;
	[dreg:$0xf] =	wrdreg s22  }
0x17: {  	s3 =	simm.s32 $0x15E80;
	s26 =	simm.s32 $0x17680;
	[dreg:$0x10] =	wrdreg s23  }
0x18: {  	v0 =	vlaneseq.u32;
	s17 =	simm.s32 $0x19E80;
	[dreg:$0x11] =	wrdreg s24;
	s18 =	simm.s32 $0x4000  }
0x19: {  	vm0 =	vmmov $0xffff;
	v2 =	vshrl.u32 v0, $0x3;
	s21 =	simm.s32 $0x1;
	s22 =	simm.s32 $0x2;
	s23 =	simm.s32 $0x3  }
0x1a: {  	v1 =	vand.u32 $0x7, v0;
	v3 =	vor.u32 $0x8, v0;
	v2 =	vmul.u32 $0x8, v2;
	s24 =	simm.s32 $0x4;
	s19 =	simm.s32 $0x1A680;
	s20 =	simm.s32 $0x1AE80  }
.LBB2_1:
0x1b: {  	s11 =	rddreg [dreg:$0x1]  }
0x1c: {  	[tilespmem:s5], [sflag:$0x1] =	stream.linear.gather [hbm4b:s11+s5], $0x4000, $0x38;
	[tilespmem:$0x1CE80] =	vst v63  }
0x1d: {  	s1 =	rddreg [dreg:$0x4]  }
0x1e: {  	[tilespmem:s18], [sflag:$0x2] =	stream.linear.gather [hbm4b:s1+s5], $0x200, $0x38;
	[tilespmem:$0x1CE80] =	vst v63  }
0x1f: {  	s2 =	rddreg [dreg:$0x9];
	s13 =	simm.s32 $0x4200  }
0x20: {  	[tilespmem:s13], [sflag:$0x3] =	stream.linear.gather [hbm4b:s2+s5], $0x400, $0x38;
	[tilespmem:$0x1CE80] =	vst v63  }
0x21: {  	s1 =	rddreg [dreg:$0xa];
	s2 =	simm.s32 $0x4600  }
0x22: {  	[tilespmem:s2], [sflag:$0x4] =	stream.linear.gather [hbm4b:s1+s5], $0x400, $0x38;
	[tilespmem:$0x1CE80] =	vst v63  }
0x23: {  	_ =	swait.ge [sflag:s21], $0x4000  }
0x24: {  	v4 =	vimm.s32 $0x0;
	v5 =	vimm.s32 $0x4000;
	[sflag:s21] =	ssyncset.done $0x0  }
0x25: {  	v6 =	vadd.s32 v4, v5;
	s11 =	simm.s32 $0xE;
	[sflag:s21] =	ssyncadd.s32 $0xFFFFC000  }
.LBB2_2:
0x26: {  	p0 =	sne.s32 s11, $0x1;
	v6 =	vshra.s32 v6, $0x1  }
0x27: {  	vm1 =	vlt.s32 v6, $0x3FFF;
	v7 =	vadd.s32 $0x1, v6  }
0x28: {  	v8 =	vnsel vm1, $0x3FFF, v6;
	_ =	sdelay $0x4  }
0x29: {  	v8 =	vld.idx.msk [tilespmem:v8+s5+$0x0], $0xffff;
	_ =	sdelay $0x4  }
.Ltmp0:
0x2a: {  	(pc) =	sbr.rel @p0 .LBB2_2-.Ltmp0, $4  }
0x2b: {  	vm1 =	vlt.s32 v4, v5;
	vm2 =	vge.s32 v8, v0;
	vm3 =	vlt.s32 v8, v0  }
0x2c: {  	vm3 =	vmand vm1, vm3;
	vm1 =	vmand vm1, vm2  }
0x2d: {  	v4 =	vsel vm3, v7, v4;
	v5 =	vsel vm1, v6, v5  }
0x2e: {  	s11 =	sadd.s32 $0xFFFFFFFF, s11;
	v6 =	vadd.s32 v4, v5  }
0x2f: {  	v6 =	vshra.s32 v6, $0x1  }
0x30: {  	vm1 =	vlt.s32 v6, $0x3FFF  }
0x31: {  	v7 =	vnsel vm1, $0x3FFF, v6;
	_ =	sdelay $0x4  }
0x32: {  	v7 =	vld.idx.msk [tilespmem:v7+s5+$0x0], $0xffff;
	_ =	sdelay $0x4  }
0x33: {  	vm1 =	vlt.s32 v4, v5;
	vm2 =	vlt.s32 v7, v0  }
0x34: {  	v5 =	vadd.s32 $0x1, v6;
	vm1 =	vmand vm1, vm2  }
0x35: {  	v4 =	vsel vm1, v5, v4  }
0x36: {  	[tilespmem:$0x4E00] =	vst v4  }
0x37: {  	_ =	swait.ge [sflag:s22], $0x200  }
0x38: {  	[sflag:s22] =	ssyncset.done $0x0  }
0x39: {  	[sflag:s22] =	ssyncadd.s32 $0xFFFFFE00  }
0x3a: {  	_ =	swait.ge [sflag:s23], $0x400  }
0x3b: {  	[sflag:s23] =	ssyncset.done $0x0  }
0x3c: {  	[sflag:s23] =	ssyncadd.s32 $0xFFFFFC00  }
0x3d: {  	_ =	swait.ge [sflag:s24], $0x400  }
0x3e: {  	[sflag:s24] =	ssyncset.done $0x0  }
0x3f: {  	[sflag:s24] =	ssyncadd.s32 $0xFFFFFC00  }
0x40: {  	v4 =	vld [tilespmem:$0x4600];
	_ =	sdelay $0x7  }
0x41: {  	v4 =	vld.idx.msk [tilespmem:v4+s18+$0x0], $0xffff;
	_ =	sdelay $0x6  }
0x42: {  	v5 =	vld [tilespmem:$0x4200]  }
0x43: {  	v4 =	vld.idx.msk [tilespmem:v4+s25+$0x0], $0xffff  }
0x44: {  	v49 =	vld [tilespmem:$0x4610];
	_ =	sdelay $0x3  }
0x45: {  	v4 =	vadd.s32 v4, v5  }
0x46: {  	vm1 =	vlt.s32 v4, $0x3FFF  }
0x47: {  	v4 =	vnsel vm1, $0x3FFF, v4  }
0x48: {  	[tilespmem:$0x4A00] =	vst v4  }
0x49: {  	v5 =	vld.idx.msk [tilespmem:v49+s18+$0x0], $0xffff;
	_ =	sdelay $0x6  }
0x4a: {  	v50 =	vld [tilespmem:$0x4210]  }
0x4b: {  	v5 =	vld.idx.msk [tilespmem:v5+s25+$0x0], $0xffff  }
0x4c: {  	v51 =	vld [tilespmem:$0x4620];
	_ =	sdelay $0x3  }
0x4d: {  	v5 =	vadd.s32 v5, v50  }
0x4e: {  	vm1 =	vlt.s32 v5, $0x3FFF  }
0x4f: {  	v5 =	vnsel vm1, $0x3FFF, v5  }
0x50: {  	[tilespmem:$0x4A10] =	vst v5  }
0x51: {  	v5 =	vld.idx.msk [tilespmem:v51+s18+$0x0], $0xffff;
	_ =	sdelay $0x6  }
0x52: {  	v52 =	vld [tilespmem:$0x4220]  }
0x53: {  	v5 =	vld.idx.msk [tilespmem:v5+s25+$0x0], $0xffff  }
0x54: {  	v53 =	vld [tilespmem:$0x4630];
	_ =	sdelay $0x3  }
0x55: {  	v5 =	vadd.s32 v5, v52  }
0x56: {  	vm1 =	vlt.s32 v5, $0x3FFF  }
0x57: {  	v5 =	vnsel vm1, $0x3FFF, v5  }
0x58: {  	[tilespmem:$0x4A20] =	vst v5  }
0x59: {  	v5 =	vld.idx.msk [tilespmem:v53+s18+$0x0], $0xffff;
	_ =	sdelay $0x6  }
0x5a: {  	v54 =	vld [tilespmem:$0x4230]  }
0x5b: {  	v5 =	vld.idx.msk [tilespmem:v5+s25+$0x0], $0xffff  }
0x5c: {  	v55 =	vld [tilespmem:$0x4640];
	_ =	sdelay $0x3  }
0x5d: {  	v5 =	vadd.s32 v5, v54  }
0x5e: {  	vm1 =	vlt.s32 v5, $0x3FFF  }
0x5f: {  	v5 =	vnsel vm1, $0x3FFF, v5  }
0x60: {  	[tilespmem:$0x4A30] =	vst v5  }
0x61: {  	v5 =	vld.idx.msk [tilespmem:v55+s18+$0x0], $0xffff;
	_ =	sdelay $0x6  }
0x62: {  	v56 =	vld [tilespmem:$0x4240]  }
0x63: {  	v5 =	vld.idx.msk [tilespmem:v5+s25+$0x0], $0xffff  }
0x64: {  	v57 =	vld [tilespmem:$0x4650];
	_ =	sdelay $0x3  }
0x65: {  	v5 =	vadd.s32 v5, v56  }
0x66: {  	vm1 =	vlt.s32 v5, $0x3FFF  }
0x67: {  	v5 =	vnsel vm1, $0x3FFF, v5  }
0x68: {  	[tilespmem:$0x4A40] =	vst v5  }
0x69: {  	v5 =	vld.idx.msk [tilespmem:v57+s18+$0x0], $0xffff;
	_ =	sdelay $0x6  }
0x6a: {  	v58 =	vld [tilespmem:$0x4250]  }
0x6b: {  	v5 =	vld.idx.msk [tilespmem:v5+s25+$0x0], $0xffff  }
0x6c: {  	v59 =	vld [tilespmem:$0x4660];
	_ =	sdelay $0x3  }
0x6d: {  	v5 =	vadd.s32 v5, v58  }
0x6e: {  	vm1 =	vlt.s32 v5, $0x3FFF  }
0x6f: {  	v5 =	vnsel vm1, $0x3FFF, v5  }
0x70: {  	[tilespmem:$0x4A50] =	vst v5  }
0x71: {  	v5 =	vld.idx.msk [tilespmem:v59+s18+$0x0], $0xffff;
	_ =	sdelay $0x6  }
0x72: {  	v60 =	vld [tilespmem:$0x4260]  }
0x73: {  	v5 =	vld.idx.msk [tilespmem:v5+s25+$0x0], $0xffff  }
0x74: {  	v61 =	vld [tilespmem:$0x4670];
	_ =	sdelay $0x3  }
0x75: {  	v5 =	vadd.s32 v5, v60  }
0x76: {  	vm1 =	vlt.s32 v5, $0x3FFF  }
0x77: {  	v5 =	vnsel vm1, $0x3FFF, v5  }
0x78: {  	[tilespmem:$0x4A60] =	vst v5  }
0x79: {  	v5 =	vld.idx.msk [tilespmem:v61+s18+$0x0], $0xffff;
	_ =	sdelay $0x6  }
0x7a: {  	v63 =	vld [tilespmem:$0x4270];
	v62 =	vshll.u32 v4, $0x1  }
0x7b: {  	v4 =	vand.u32 $0x7, v4;
	v6 =	vand.u32 $0xFFFFFFF0, v62;
	v5 =	vld.idx.msk [tilespmem:v5+s25+$0x0], $0xffff  }
0x7c: {  	v4 =	vor.u32 v4, v6  }
0x7d: {  	v6 =	vperm.xlane v4, v1;
	_ =	sdelay $0x1  }
0x7e: {  	v4 =	vperm.xlane v4, v3;
	v6 =	vadd.s32 v2, v6  }
0x7f: {  	v5 =	vadd.s32 v5, v63  }
0x80: {  	v4 =	vadd.s32 v2, v4;
	vm1 =	vlt.s32 v5, $0x3FFF  }
0x81: {  	v5 =	vnsel vm1, $0x3FFF, v5  }
0x82: {  	[tilespmem:$0x4A70] =	vst v5  }
0x83: {  	[tilespmem:s31], [sflag:$0x1] =	stream.indirect_vreg.gather [hbm4b:s0+s5], $0x80, v6, vm0, $0xb8;
	[tilespmem:$0x1CE80] =	vst v63  }
0x84: {  	s13 =	simm.s32 $0x5680  }
0x85: {  	[tilespmem:s13], [sflag:$0x1] =	stream.indirect_vreg.gather [hbm4b:s0+s5], $0x80, v4, vm0, $0xb8;
	[tilespmem:$0x1CE80] =	vst v63  }
0x86: {  	v4 =	vld [tilespmem:$0x4A10];
	_ =	sdelay $0x4  }
0x87: {  	v5 =	vshll.u32 v4, $0x1  }
0x88: {  	v4 =	vand.u32 $0x7, v4;
	v5 =	vand.u32 $0xFFFFFFF0, v5  }
0x89: {  	v4 =	vor.u32 v4, v5  }
0x8a: {  	v5 =	vperm.xlane v4, v1;
	_ =	sdelay $0x1  }
0x8b: {  	v4 =	vperm.xlane v4, v3;
	v5 =	vadd.s32 v2, v5;
	_ =	sdelay $0x1  }
0x8c: {  	v4 =	vadd.s32 v2, v4;
	_ =	sdelay $0x1  }
0x8d: {  	s1 =	simm.s32 $0x5E80  }
0x8e: {  	[tilespmem:s1], [sflag:$0x1] =	stream.indirect_vreg.gather [hbm4b:s0+s5], $0x80, v5, vm0, $0xb8;
	[tilespmem:$0x1CE80] =	vst v63  }
0x8f: {  	s2 =	simm.s32 $0x6680  }
0x90: {  	[tilespmem:s2], [sflag:$0x1] =	stream.indirect_vreg.gather [hbm4b:s0+s5], $0x80, v4, vm0, $0xb8;
	[tilespmem:$0x1CE80] =	vst v63  }
0x91: {  	v4 =	vld [tilespmem:$0x4A20];
	_ =	sdelay $0x4  }
0x92: {  	v5 =	vshll.u32 v4, $0x1  }
0x93: {  	v4 =	vand.u32 $0x7, v4;
	v5 =	vand.u32 $0xFFFFFFF0, v5  }
0x94: {  	v4 =	vor.u32 v4, v5  }
0x95: {  	v5 =	vperm.xlane v4, v1;
	_ =	sdelay $0x1  }
0x96: {  	v4 =	vperm.xlane v4, v3;
	v5 =	vadd.s32 v2, v5;
	_ =	sdelay $0x1  }
0x97: {  	v4 =	vadd.s32 v2, v4;
	_ =	sdelay $0x1  }
0x98: {  	s11 =	simm.s32 $0x6E80  }
0x99: {  	[tilespmem:s11], [sflag:$0x1] =	stream.indirect_vreg.gather [hbm4b:s0+s5], $0x80, v5, vm0, $0xb8;
	[tilespmem:$0x1CE80] =	vst v63  }
0x9a: {  	s2 =	simm.s32 $0x7680  }
0x9b: {  	[tilespmem:s2], [sflag:$0x1] =	stream.indirect_vreg.gather [hbm4b:s0+s5], $0x80, v4, vm0, $0xb8;
	[tilespmem:$0x1CE80] =	vst v63  }
0x9c: {  	v4 =	vld [tilespmem:$0x4A30];
	_ =	sdelay $0x4  }
0x9d: {  	v5 =	vshll.u32 v4, $0x1  }
0x9e: {  	v4 =	vand.u32 $0x7, v4;
	v5 =	vand.u32 $0xFFFFFFF0, v5  }
0x9f: {  	v4 =	vor.u32 v4, v5  }
0xa0: {  	v5 =	vperm.xlane v4, v1;
	_ =	sdelay $0x1  }
0xa1: {  	v4 =	vperm.xlane v4, v3;
	v5 =	vadd.s32 v2, v5;
	_ =	sdelay $0x1  }
0xa2: {  	v4 =	vadd.s32 v2, v4;
	_ =	sdelay $0x1  }
0xa3: {  	s11 =	simm.s32 $0x7E80  }
0xa4: {  	[tilespmem:s11], [sflag:$0x1] =	stream.indirect_vreg.gather [hbm4b:s0+s5], $0x80, v5, vm0, $0xb8;
	[tilespmem:$0x1CE80] =	vst v63  }
0xa5: {  	s2 =	simm.s32 $0x8680  }
0xa6: {  	[tilespmem:s2], [sflag:$0x1] =	stream.indirect_vreg.gather [hbm4b:s0+s5], $0x80, v4, vm0, $0xb8;
	[tilespmem:$0x1CE80] =	vst v63  }
0xa7: {  	v4 =	vld [tilespmem:$0x4A40];
	_ =	sdelay $0x4  }
0xa8: {  	v5 =	vshll.u32 v4, $0x1  }
0xa9: {  	v4 =	vand.u32 $0x7, v4;
	v5 =	vand.u32 $0xFFFFFFF0, v5  }
0xaa: {  	v4 =	vor.u32 v4, v5  }
0xab: {  	v5 =	vperm.xlane v4, v1;
	_ =	sdelay $0x1  }
0xac: {  	v4 =	vperm.xlane v4, v3;
	v5 =	vadd.s32 v2, v5;
	_ =	sdelay $0x1  }
0xad: {  	v4 =	vadd.s32 v2, v4;
	_ =	sdelay $0x1  }
0xae: {  	s11 =	simm.s32 $0x8E80  }
0xaf: {  	[tilespmem:s11], [sflag:$0x1] =	stream.indirect_vreg.gather [hbm4b:s0+s5], $0x80, v5, vm0, $0xb8;
	[tilespmem:$0x1CE80] =	vst v63  }
0xb0: {  	s2 =	simm.s32 $0x9680  }
0xb1: {  	[tilespmem:s2], [sflag:$0x1] =	stream.indirect_vreg.gather [hbm4b:s0+s5], $0x80, v4, vm0, $0xb8;
	[tilespmem:$0x1CE80] =	vst v63  }
0xb2: {  	v4 =	vld [tilespmem:$0x4A50];
	_ =	sdelay $0x4  }
0xb3: {  	v5 =	vshll.u32 v4, $0x1  }
0xb4: {  	v4 =	vand.u32 $0x7, v4;
	v5 =	vand.u32 $0xFFFFFFF0, v5  }
0xb5: {  	v4 =	vor.u32 v4, v5  }
0xb6: {  	v5 =	vperm.xlane v4, v1;
	_ =	sdelay $0x1  }
0xb7: {  	v4 =	vperm.xlane v4, v3;
	v5 =	vadd.s32 v2, v5;
	_ =	sdelay $0x1  }
0xb8: {  	v4 =	vadd.s32 v2, v4;
	_ =	sdelay $0x1  }
0xb9: {  	s11 =	simm.s32 $0x9E80  }
0xba: {  	[tilespmem:s11], [sflag:$0x1] =	stream.indirect_vreg.gather [hbm4b:s0+s5], $0x80, v5, vm0, $0xb8;
	[tilespmem:$0x1CE80] =	vst v63  }
0xbb: {  	s2 =	simm.s32 $0xA680  }
0xbc: {  	[tilespmem:s2], [sflag:$0x1] =	stream.indirect_vreg.gather [hbm4b:s0+s5], $0x80, v4, vm0, $0xb8;
	[tilespmem:$0x1CE80] =	vst v63  }
0xbd: {  	v4 =	vld [tilespmem:$0x4A60];
	_ =	sdelay $0x4  }
0xbe: {  	v5 =	vshll.u32 v4, $0x1  }
0xbf: {  	v4 =	vand.u32 $0x7, v4;
	v5 =	vand.u32 $0xFFFFFFF0, v5  }
0xc0: {  	v4 =	vor.u32 v4, v5  }
0xc1: {  	v5 =	vperm.xlane v4, v1;
	_ =	sdelay $0x1  }
0xc2: {  	v4 =	vperm.xlane v4, v3;
	v5 =	vadd.s32 v2, v5;
	_ =	sdelay $0x1  }
0xc3: {  	v4 =	vadd.s32 v2, v4;
	_ =	sdelay $0x1  }
0xc4: {  	s11 =	simm.s32 $0xAE80  }
0xc5: {  	[tilespmem:s11], [sflag:$0x1] =	stream.indirect_vreg.gather [hbm4b:s0+s5], $0x80, v5, vm0, $0xb8;
	[tilespmem:$0x1CE80] =	vst v63  }
0xc6: {  	s2 =	simm.s32 $0xB680  }
0xc7: {  	[tilespmem:s2], [sflag:$0x1] =	stream.indirect_vreg.gather [hbm4b:s0+s5], $0x80, v4, vm0, $0xb8;
	[tilespmem:$0x1CE80] =	vst v63  }
0xc8: {  	v4 =	vld [tilespmem:$0x4A70];
	_ =	sdelay $0x4  }
0xc9: {  	v5 =	vshll.u32 v4, $0x1  }
0xca: {  	v4 =	vand.u32 $0x7, v4;
	v5 =	vand.u32 $0xFFFFFFF0, v5  }
0xcb: {  	v4 =	vor.u32 v4, v5  }
0xcc: {  	v5 =	vperm.xlane v4, v1;
	_ =	sdelay $0x1  }
0xcd: {  	v4 =	vperm.xlane v4, v3;
	v5 =	vadd.s32 v2, v5;
	_ =	sdelay $0x1  }
0xce: {  	v4 =	vadd.s32 v2, v4;
	_ =	sdelay $0x1  }
0xcf: {  	s11 =	simm.s32 $0xBE80  }
0xd0: {  	[tilespmem:s11], [sflag:$0x1] =	stream.indirect_vreg.gather [hbm4b:s0+s5], $0x80, v5, vm0, $0xb8;
	[tilespmem:$0x1CE80] =	vst v63  }
0xd1: {  	s2 =	simm.s32 $0xC680  }
0xd2: {  	[tilespmem:s2], [sflag:$0x1] =	stream.indirect_vreg.gather [hbm4b:s0+s5], $0x80, v4, vm0, $0xb8;
	[tilespmem:$0x1CE80] =	vst v63  }
0xd3: {  	v4 =	vld [tilespmem:$0x4680];
	_ =	sdelay $0x7  }
0xd4: {  	v4 =	vld.idx.msk [tilespmem:v4+s18+$0x0], $0xffff;
	_ =	sdelay $0x6  }
0xd5: {  	v5 =	vld [tilespmem:$0x4280]  }
0xd6: {  	v4 =	vld.idx.msk [tilespmem:v4+s25+$0x0], $0xffff  }
0xd7: {  	v9 =	vld [tilespmem:$0x4690];
	_ =	sdelay $0x3  }
0xd8: {  	v4 =	vadd.s32 v4, v5  }
0xd9: {  	vm1 =	vlt.s32 v4, $0x3FFF  }
0xda: {  	v4 =	vnsel vm1, $0x3FFF, v4  }
0xdb: {  	[tilespmem:$0x4A80] =	vst v4  }
0xdc: {  	v5 =	vld.idx.msk [tilespmem:v9+s18+$0x0], $0xffff;
	_ =	sdelay $0x6  }
0xdd: {  	v10 =	vld [tilespmem:$0x4290]  }
0xde: {  	v5 =	vld.idx.msk [tilespmem:v5+s25+$0x0], $0xffff  }
0xdf: {  	v11 =	vld [tilespmem:$0x46A0];
	_ =	sdelay $0x3  }
0xe0: {  	v5 =	vadd.s32 v5, v10  }
0xe1: {  	vm1 =	vlt.s32 v5, $0x3FFF  }
0xe2: {  	v5 =	vnsel vm1, $0x3FFF, v5  }
0xe3: {  	[tilespmem:$0x4A90] =	vst v5  }
0xe4: {  	v5 =	vld.idx.msk [tilespmem:v11+s18+$0x0], $0xffff;
	_ =	sdelay $0x6  }
0xe5: {  	v12 =	vld [tilespmem:$0x42A0]  }
0xe6: {  	v5 =	vld.idx.msk [tilespmem:v5+s25+$0x0], $0xffff  }
0xe7: {  	v13 =	vld [tilespmem:$0x46B0];
	_ =	sdelay $0x3  }
0xe8: {  	v5 =	vadd.s32 v5, v12  }
0xe9: {  	vm1 =	vlt.s32 v5, $0x3FFF  }
0xea: {  	v5 =	vnsel vm1, $0x3FFF, v5  }
0xeb: {  	[tilespmem:$0x4AA0] =	vst v5  }
0xec: {  	v5 =	vld.idx.msk [tilespmem:v13+s18+$0x0], $0xffff;
	_ =	sdelay $0x6  }
0xed: {  	v14 =	vld [tilespmem:$0x42B0]  }
0xee: {  	v5 =	vld.idx.msk [tilespmem:v5+s25+$0x0], $0xffff  }
0xef: {  	v15 =	vld [tilespmem:$0x46C0];
	_ =	sdelay $0x3  }
0xf0: {  	v5 =	vadd.s32 v5, v14  }
0xf1: {  	vm1 =	vlt.s32 v5, $0x3FFF  }
0xf2: {  	v5 =	vnsel vm1, $0x3FFF, v5  }
0xf3: {  	[tilespmem:$0x4AB0] =	vst v5  }
0xf4: {  	v5 =	vld.idx.msk [tilespmem:v15+s18+$0x0], $0xffff;
	_ =	sdelay $0x6  }
0xf5: {  	v16 =	vld [tilespmem:$0x42C0]  }
0xf6: {  	v5 =	vld.idx.msk [tilespmem:v5+s25+$0x0], $0xffff  }
0xf7: {  	v17 =	vld [tilespmem:$0x46D0];
	_ =	sdelay $0x3  }
0xf8: {  	v5 =	vadd.s32 v5, v16  }
0xf9: {  	vm1 =	vlt.s32 v5, $0x3FFF  }
0xfa: {  	v5 =	vnsel vm1, $0x3FFF, v5  }
0xfb: {  	[tilespmem:$0x4AC0] =	vst v5  }
0xfc: {  	v5 =	vld.idx.msk [tilespmem:v17+s18+$0x0], $0xffff;
	_ =	sdelay $0x6  }
0xfd: {  	v18 =	vld [tilespmem:$0x42D0]  }
0xfe: {  	v5 =	vld.idx.msk [tilespmem:v5+s25+$0x0], $0xffff  }
0xff: {  	v19 =	vld [tilespmem:$0x46E0];
	_ =	sdelay $0x3  }
0x100: {  	v5 =	vadd.s32 v5, v18  }
0x101: {  	vm1 =	vlt.s32 v5, $0x3FFF  }
0x102: {  	v5 =	vnsel vm1, $0x3FFF, v5  }
0x103: {  	[tilespmem:$0x4AD0] =	vst v5  }
0x104: {  	v5 =	vld.idx.msk [tilespmem:v19+s18+$0x0], $0xffff;
	_ =	sdelay $0x6  }
0x105: {  	v20 =	vld [tilespmem:$0x42E0]  }
0x106: {  	v5 =	vld.idx.msk [tilespmem:v5+s25+$0x0], $0xffff  }
0x107: {  	v21 =	vld [tilespmem:$0x46F0];
	_ =	sdelay $0x3  }
0x108: {  	v5 =	vadd.s32 v5, v20  }
0x109: {  	vm1 =	vlt.s32 v5, $0x3FFF  }
0x10a: {  	v5 =	vnsel vm1, $0x3FFF, v5  }
0x10b: {  	[tilespmem:$0x4AE0] =	vst v5  }
0x10c: {  	v5 =	vld.idx.msk [tilespmem:v21+s18+$0x0], $0xffff;
	_ =	sdelay $0x6  }
0x10d: {  	v23 =	vld [tilespmem:$0x42F0];
	v22 =	vshll.u32 v4, $0x1  }
0x10e: {  	v4 =	vand.u32 $0x7, v4;
	v6 =	vand.u32 $0xFFFFFFF0, v22;
	v5 =	vld.idx.msk [tilespmem:v5+s25+$0x0], $0xffff  }
0x10f: {  	v4 =	vor.u32 v4, v6  }
0x110: {  	v6 =	vperm.xlane v4, v1;
	_ =	sdelay $0x1  }
0x111: {  	v4 =	vperm.xlane v4, v3;
	v6 =	vadd.s32 v2, v6  }
0x112: {  	v5 =	vadd.s32 v5, v23  }
0x113: {  	v4 =	vadd.s32 v2, v4;
	vm1 =	vlt.s32 v5, $0x3FFF  }
0x114: {  	v5 =	vnsel vm1, $0x3FFF, v5  }
0x115: {  	[tilespmem:$0x4AF0] =	vst v5  }
0x116: {  	[tilespmem:s12], [sflag:$0x2] =	stream.indirect_vreg.gather [hbm4b:s0+s5], $0x80, v6, vm0, $0xb8;
	[tilespmem:$0x1CE80] =	vst v63  }
0x117: {  	s11 =	simm.s32 $0xD680  }
0x118: {  	[tilespmem:s11], [sflag:$0x2] =	stream.indirect_vreg.gather [hbm4b:s0+s5], $0x80, v4, vm0, $0xb8;
	[tilespmem:$0x1CE80] =	vst v63  }
0x119: {  	v4 =	vld [tilespmem:$0x4A90];
	_ =	sdelay $0x4  }
0x11a: {  	v5 =	vshll.u32 v4, $0x1  }
0x11b: {  	v4 =	vand.u32 $0x7, v4;
	v5 =	vand.u32 $0xFFFFFFF0, v5  }
0x11c: {  	v4 =	vor.u32 v4, v5  }
0x11d: {  	v5 =	vperm.xlane v4, v1;
	_ =	sdelay $0x1  }
0x11e: {  	v4 =	vperm.xlane v4, v3;
	v5 =	vadd.s32 v2, v5;
	_ =	sdelay $0x1  }
0x11f: {  	v4 =	vadd.s32 v2, v4;
	_ =	sdelay $0x1  }
0x120: {  	s2 =	simm.s32 $0xDE80  }
0x121: {  	[tilespmem:s2], [sflag:$0x2] =	stream.indirect_vreg.gather [hbm4b:s0+s5], $0x80, v5, vm0, $0xb8;
	[tilespmem:$0x1CE80] =	vst v63  }
0x122: {  	s11 =	simm.s32 $0xE680  }
0x123: {  	[tilespmem:s11], [sflag:$0x2] =	stream.indirect_vreg.gather [hbm4b:s0+s5], $0x80, v4, vm0, $0xb8;
	[tilespmem:$0x1CE80] =	vst v63  }
0x124: {  	v4 =	vld [tilespmem:$0x4AA0];
	_ =	sdelay $0x4  }
0x125: {  	v5 =	vshll.u32 v4, $0x1  }
0x126: {  	v4 =	vand.u32 $0x7, v4;
	v5 =	vand.u32 $0xFFFFFFF0, v5  }
0x127: {  	v4 =	vor.u32 v4, v5  }
0x128: {  	v5 =	vperm.xlane v4, v1;
	_ =	sdelay $0x1  }
0x129: {  	v4 =	vperm.xlane v4, v3;
	v5 =	vadd.s32 v2, v5;
	_ =	sdelay $0x1  }
0x12a: {  	v4 =	vadd.s32 v2, v4;
	_ =	sdelay $0x1  }
0x12b: {  	s2 =	simm.s32 $0xEE80  }
0x12c: {  	[tilespmem:s2], [sflag:$0x2] =	stream.indirect_vreg.gather [hbm4b:s0+s5], $0x80, v5, vm0, $0xb8;
	[tilespmem:$0x1CE80] =	vst v63  }
0x12d: {  	s11 =	simm.s32 $0xF680  }
0x12e: {  	[tilespmem:s11], [sflag:$0x2] =	stream.indirect_vreg.gather [hbm4b:s0+s5], $0x80, v4, vm0, $0xb8;
	[tilespmem:$0x1CE80] =	vst v63  }
0x12f: {  	v4 =	vld [tilespmem:$0x4AB0];
	_ =	sdelay $0x4  }
0x130: {  	v5 =	vshll.u32 v4, $0x1  }
0x131: {  	v4 =	vand.u32 $0x7, v4;
	v5 =	vand.u32 $0xFFFFFFF0, v5  }
0x132: {  	v4 =	vor.u32 v4, v5  }
0x133: {  	v5 =	vperm.xlane v4, v1;
	_ =	sdelay $0x1  }
0x134: {  	v4 =	vperm.xlane v4, v3;
	v5 =	vadd.s32 v2, v5;
	_ =	sdelay $0x1  }
0x135: {  	v4 =	vadd.s32 v2, v4;
	_ =	sdelay $0x1  }
0x136: {  	s2 =	simm.s32 $0xFE80  }
0x137: {  	[tilespmem:s2], [sflag:$0x2] =	stream.indirect_vreg.gather [hbm4b:s0+s5], $0x80, v5, vm0, $0xb8;
	[tilespmem:$0x1CE80] =	vst v63  }
0x138: {  	s11 =	simm.s32 $0x10680  }
0x139: {  	[tilespmem:s11], [sflag:$0x2] =	stream.indirect_vreg.gather [hbm4b:s0+s5], $0x80, v4, vm0, $0xb8;
	[tilespmem:$0x1CE80] =	vst v63  }
0x13a: {  	v4 =	vld [tilespmem:$0x4AC0];
	_ =	sdelay $0x4  }
0x13b: {  	v5 =	vshll.u32 v4, $0x1  }
0x13c: {  	v4 =	vand.u32 $0x7, v4;
	v5 =	vand.u32 $0xFFFFFFF0, v5  }
0x13d: {  	v4 =	vor.u32 v4, v5  }
0x13e: {  	v5 =	vperm.xlane v4, v1;
	_ =	sdelay $0x1  }
0x13f: {  	v4 =	vperm.xlane v4, v3;
	v5 =	vadd.s32 v2, v5;
	_ =	sdelay $0x1  }
0x140: {  	v4 =	vadd.s32 v2, v4;
	_ =	sdelay $0x1  }
0x141: {  	s2 =	simm.s32 $0x10E80  }
0x142: {  	[tilespmem:s2], [sflag:$0x2] =	stream.indirect_vreg.gather [hbm4b:s0+s5], $0x80, v5, vm0, $0xb8;
	[tilespmem:$0x1CE80] =	vst v63  }
0x143: {  	s11 =	simm.s32 $0x11680  }
0x144: {  	[tilespmem:s11], [sflag:$0x2] =	stream.indirect_vreg.gather [hbm4b:s0+s5], $0x80, v4, vm0, $0xb8;
	[tilespmem:$0x1CE80] =	vst v63  }
0x145: {  	v4 =	vld [tilespmem:$0x4AD0];
	_ =	sdelay $0x4  }
0x146: {  	v5 =	vshll.u32 v4, $0x1  }
0x147: {  	v4 =	vand.u32 $0x7, v4;
	v5 =	vand.u32 $0xFFFFFFF0, v5  }
0x148: {  	v4 =	vor.u32 v4, v5  }
0x149: {  	v5 =	vperm.xlane v4, v1;
	_ =	sdelay $0x1  }
0x14a: {  	v4 =	vperm.xlane v4, v3;
	v5 =	vadd.s32 v2, v5;
	_ =	sdelay $0x1  }
0x14b: {  	v4 =	vadd.s32 v2, v4;
	_ =	sdelay $0x1  }
0x14c: {  	s2 =	simm.s32 $0x11E80  }
0x14d: {  	[tilespmem:s2], [sflag:$0x2] =	stream.indirect_vreg.gather [hbm4b:s0+s5], $0x80, v5, vm0, $0xb8;
	[tilespmem:$0x1CE80] =	vst v63  }
0x14e: {  	s11 =	simm.s32 $0x12680  }
0x14f: {  	[tilespmem:s11], [sflag:$0x2] =	stream.indirect_vreg.gather [hbm4b:s0+s5], $0x80, v4, vm0, $0xb8;
	[tilespmem:$0x1CE80] =	vst v63  }
0x150: {  	v4 =	vld [tilespmem:$0x4AE0];
	_ =	sdelay $0x4  }
0x151: {  	v5 =	vshll.u32 v4, $0x1  }
0x152: {  	v4 =	vand.u32 $0x7, v4;
	v5 =	vand.u32 $0xFFFFFFF0, v5  }
0x153: {  	v4 =	vor.u32 v4, v5  }
0x154: {  	v5 =	vperm.xlane v4, v1;
	_ =	sdelay $0x1  }
0x155: {  	v4 =	vperm.xlane v4, v3;
	v5 =	vadd.s32 v2, v5;
	_ =	sdelay $0x1  }
0x156: {  	v4 =	vadd.s32 v2, v4;
	_ =	sdelay $0x1  }
0x157: {  	s2 =	simm.s32 $0x12E80  }
0x158: {  	[tilespmem:s2], [sflag:$0x2] =	stream.indirect_vreg.gather [hbm4b:s0+s5], $0x80, v5, vm0, $0xb8;
	[tilespmem:$0x1CE80] =	vst v63  }
0x159: {  	s11 =	simm.s32 $0x13680  }
0x15a: {  	[tilespmem:s11], [sflag:$0x2] =	stream.indirect_vreg.gather [hbm4b:s0+s5], $0x80, v4, vm0, $0xb8;
	[tilespmem:$0x1CE80] =	vst v63  }
0x15b: {  	v4 =	vld [tilespmem:$0x4AF0];
	_ =	sdelay $0x4  }
0x15c: {  	v5 =	vshll.u32 v4, $0x1  }
0x15d: {  	v4 =	vand.u32 $0x7, v4;
	v5 =	vand.u32 $0xFFFFFFF0, v5  }
0x15e: {  	v4 =	vor.u32 v4, v5  }
0x15f: {  	v5 =	vperm.xlane v4, v1;
	_ =	sdelay $0x1  }
0x160: {  	v4 =	vperm.xlane v4, v3;
	v5 =	vadd.s32 v2, v5;
	_ =	sdelay $0x1  }
0x161: {  	v4 =	vadd.s32 v2, v4;
	_ =	sdelay $0x1  }
0x162: {  	s2 =	simm.s32 $0x13E80  }
0x163: {  	[tilespmem:s2], [sflag:$0x2] =	stream.indirect_vreg.gather [hbm4b:s0+s5], $0x80, v5, vm0, $0xb8;
	[tilespmem:$0x1CE80] =	vst v63  }
0x164: {  	s11 =	simm.s32 $0x14680  }
0x165: {  	[tilespmem:s11], [sflag:$0x2] =	stream.indirect_vreg.gather [hbm4b:s0+s5], $0x80, v4, vm0, $0xb8;
	[tilespmem:$0x1CE80] =	vst v63  }
0x166: {  	_ =	swait.ge [sflag:s21], $0x8000  }
0x167: {  	[sflag:s21] =	ssyncset.done $0x0  }
0x168: {  	s11 =	rddreg [dreg:$0x8];
	[sflag:s21] =	ssyncadd.s32 $0xFFFF8000  }
0x169: {  	[hbm4b:s11+s5] =	stream.linear.scatter [tilespmem:s31], [sflag:$0x4], $0x8000, $0x38;
	[tilespmem:$0x1CE80] =	vst v63  }
0x16a: {  	v4 =	vld [tilespmem:$0x4700];
	_ =	sdelay $0x7  }
0x16b: {  	v4 =	vld.idx.msk [tilespmem:v4+s18+$0x0], $0xffff;
	_ =	sdelay $0x6  }
0x16c: {  	v5 =	vld [tilespmem:$0x4300]  }
0x16d: {  	v4 =	vld.idx.msk [tilespmem:v4+s25+$0x0], $0xffff  }
0x16e: {  	v24 =	vld [tilespmem:$0x4710];
	_ =	sdelay $0x3  }
0x16f: {  	v4 =	vadd.s32 v4, v5  }
0x170: {  	vm1 =	vlt.s32 v4, $0x3FFF  }
0x171: {  	v4 =	vnsel vm1, $0x3FFF, v4  }
0x172: {  	[tilespmem:$0x4B00] =	vst v4  }
0x173: {  	v5 =	vld.idx.msk [tilespmem:v24+s18+$0x0], $0xffff;
	_ =	sdelay $0x6  }
0x174: {  	v25 =	vld [tilespmem:$0x4310]  }
0x175: {  	v5 =	vld.idx.msk [tilespmem:v5+s25+$0x0], $0xffff  }
0x176: {  	v26 =	vld [tilespmem:$0x4720];
	_ =	sdelay $0x3  }
0x177: {  	v5 =	vadd.s32 v5, v25  }
0x178: {  	vm1 =	vlt.s32 v5, $0x3FFF  }
0x179: {  	v5 =	vnsel vm1, $0x3FFF, v5  }
0x17a: {  	[tilespmem:$0x4B10] =	vst v5  }
0x17b: {  	v5 =	vld.idx.msk [tilespmem:v26+s18+$0x0], $0xffff;
	_ =	sdelay $0x6  }
0x17c: {  	v27 =	vld [tilespmem:$0x4320]  }
0x17d: {  	v5 =	vld.idx.msk [tilespmem:v5+s25+$0x0], $0xffff  }
0x17e: {  	v28 =	vld [tilespmem:$0x4730];
	_ =	sdelay $0x3  }
0x17f: {  	v5 =	vadd.s32 v5, v27  }
0x180: {  	vm1 =	vlt.s32 v5, $0x3FFF  }
0x181: {  	v5 =	vnsel vm1, $0x3FFF, v5  }
0x182: {  	[tilespmem:$0x4B20] =	vst v5  }
0x183: {  	v5 =	vld.idx.msk [tilespmem:v28+s18+$0x0], $0xffff;
	_ =	sdelay $0x6  }
0x184: {  	v29 =	vld [tilespmem:$0x4330]  }
0x185: {  	v5 =	vld.idx.msk [tilespmem:v5+s25+$0x0], $0xffff  }
0x186: {  	v30 =	vld [tilespmem:$0x4740];
	_ =	sdelay $0x3  }
0x187: {  	v5 =	vadd.s32 v5, v29  }
0x188: {  	vm1 =	vlt.s32 v5, $0x3FFF  }
0x189: {  	v5 =	vnsel vm1, $0x3FFF, v5  }
0x18a: {  	[tilespmem:$0x4B30] =	vst v5  }
0x18b: {  	v5 =	vld.idx.msk [tilespmem:v30+s18+$0x0], $0xffff;
	_ =	sdelay $0x6  }
0x18c: {  	v31 =	vld [tilespmem:$0x4340]  }
0x18d: {  	v5 =	vld.idx.msk [tilespmem:v5+s25+$0x0], $0xffff  }
0x18e: {  	v32 =	vld [tilespmem:$0x4750];
	_ =	sdelay $0x3  }
0x18f: {  	v5 =	vadd.s32 v5, v31  }
0x190: {  	vm1 =	vlt.s32 v5, $0x3FFF  }
0x191: {  	v5 =	vnsel vm1, $0x3FFF, v5  }
0x192: {  	[tilespmem:$0x4B40] =	vst v5  }
0x193: {  	v5 =	vld.idx.msk [tilespmem:v32+s18+$0x0], $0xffff;
	_ =	sdelay $0x6  }
0x194: {  	v33 =	vld [tilespmem:$0x4350]  }
0x195: {  	v5 =	vld.idx.msk [tilespmem:v5+s25+$0x0], $0xffff  }
0x196: {  	v34 =	vld [tilespmem:$0x4760];
	_ =	sdelay $0x3  }
0x197: {  	v5 =	vadd.s32 v5, v33  }
0x198: {  	vm1 =	vlt.s32 v5, $0x3FFF  }
0x199: {  	v5 =	vnsel vm1, $0x3FFF, v5  }
0x19a: {  	[tilespmem:$0x4B50] =	vst v5  }
0x19b: {  	v5 =	vld.idx.msk [tilespmem:v34+s18+$0x0], $0xffff;
	_ =	sdelay $0x6  }
0x19c: {  	v35 =	vld [tilespmem:$0x4360]  }
0x19d: {  	v5 =	vld.idx.msk [tilespmem:v5+s25+$0x0], $0xffff  }
0x19e: {  	v36 =	vld [tilespmem:$0x4770];
	_ =	sdelay $0x3  }
0x19f: {  	v5 =	vadd.s32 v5, v35  }
0x1a0: {  	vm1 =	vlt.s32 v5, $0x3FFF  }
0x1a1: {  	v5 =	vnsel vm1, $0x3FFF, v5  }
0x1a2: {  	[tilespmem:$0x4B60] =	vst v5  }
0x1a3: {  	v5 =	vld.idx.msk [tilespmem:v36+s18+$0x0], $0xffff;
	_ =	sdelay $0x6  }
0x1a4: {  	v38 =	vld [tilespmem:$0x4370];
	v37 =	vshll.u32 v4, $0x1  }
0x1a5: {  	v4 =	vand.u32 $0x7, v4;
	v6 =	vand.u32 $0xFFFFFFF0, v37;
	v5 =	vld.idx.msk [tilespmem:v5+s25+$0x0], $0xffff  }
0x1a6: {  	v4 =	vor.u32 v4, v6  }
0x1a7: {  	v6 =	vperm.xlane v4, v1;
	_ =	sdelay $0x1  }
0x1a8: {  	v4 =	vperm.xlane v4, v3;
	v6 =	vadd.s32 v2, v6  }
0x1a9: {  	v5 =	vadd.s32 v5, v38  }
0x1aa: {  	v4 =	vadd.s32 v2, v4;
	vm1 =	vlt.s32 v5, $0x3FFF  }
0x1ab: {  	v5 =	vnsel vm1, $0x3FFF, v5  }
0x1ac: {  	s1 =	simm.s32 $0x14E80;
	[tilespmem:$0x4B70] =	vst v5  }
0x1ad: {  	[tilespmem:s1], [sflag:$0x3] =	stream.indirect_vreg.gather [hbm4b:s0+s5], $0x80, v6, vm0, $0xb8;
	[tilespmem:$0x1CE80] =	vst v63  }
0x1ae: {  	s2 =	simm.s32 $0x15680  }
0x1af: {  	[tilespmem:s2], [sflag:$0x3] =	stream.indirect_vreg.gather [hbm4b:s0+s5], $0x80, v4, vm0, $0xb8;
	[tilespmem:$0x1CE80] =	vst v63  }
0x1b0: {  	v4 =	vld [tilespmem:$0x4B10];
	_ =	sdelay $0x4  }
0x1b1: {  	v5 =	vshll.u32 v4, $0x1  }
0x1b2: {  	v4 =	vand.u32 $0x7, v4;
	v5 =	vand.u32 $0xFFFFFFF0, v5  }
0x1b3: {  	v4 =	vor.u32 v4, v5  }
0x1b4: {  	v5 =	vperm.xlane v4, v1;
	_ =	sdelay $0x1  }
0x1b5: {  	v4 =	vperm.xlane v4, v3;
	v5 =	vadd.s32 v2, v5;
	_ =	sdelay $0x1  }
0x1b6: {  	v4 =	vadd.s32 v2, v4;
	_ =	sdelay $0x2  }
0x1b7: {  	[tilespmem:s3], [sflag:$0x3] =	stream.indirect_vreg.gather [hbm4b:s0+s5], $0x80, v5, vm0, $0xb8;
	[tilespmem:$0x1CE80] =	vst v63  }
0x1b8: {  	_ = 	snop  }
0x1b9: {  	[tilespmem:s4], [sflag:$0x3] =	stream.indirect_vreg.gather [hbm4b:s0+s5], $0x80, v4, vm0, $0xb8;
	[tilespmem:$0x1CE80] =	vst v63  }
0x1ba: {  	v4 =	vld [tilespmem:$0x4B20];
	_ =	sdelay $0x4  }
0x1bb: {  	v5 =	vshll.u32 v4, $0x1  }
0x1bc: {  	v4 =	vand.u32 $0x7, v4;
	v5 =	vand.u32 $0xFFFFFFF0, v5  }
0x1bd: {  	v4 =	vor.u32 v4, v5  }
0x1be: {  	v5 =	vperm.xlane v4, v1;
	_ =	sdelay $0x1  }
0x1bf: {  	v4 =	vperm.xlane v4, v3;
	v5 =	vadd.s32 v2, v5;
	_ =	sdelay $0x1  }
0x1c0: {  	v4 =	vadd.s32 v2, v4;
	_ =	sdelay $0x2  }
0x1c1: {  	[tilespmem:s6], [sflag:$0x3] =	stream.indirect_vreg.gather [hbm4b:s0+s5], $0x80, v5, vm0, $0xb8;
	[tilespmem:$0x1CE80] =	vst v63  }
0x1c2: {  	_ = 	snop  }
0x1c3: {  	[tilespmem:s26], [sflag:$0x3] =	stream.indirect_vreg.gather [hbm4b:s0+s5], $0x80, v4, vm0, $0xb8;
	[tilespmem:$0x1CE80] =	vst v63  }
0x1c4: {  	v4 =	vld [tilespmem:$0x4B30];
	_ =	sdelay $0x4  }
0x1c5: {  	v5 =	vshll.u32 v4, $0x1  }
0x1c6: {  	v4 =	vand.u32 $0x7, v4;
	v5 =	vand.u32 $0xFFFFFFF0, v5  }
0x1c7: {  	v4 =	vor.u32 v4, v5  }
0x1c8: {  	v5 =	vperm.xlane v4, v1;
	_ =	sdelay $0x1  }
0x1c9: {  	v4 =	vperm.xlane v4, v3;
	v5 =	vadd.s32 v2, v5;
	_ =	sdelay $0x1  }
0x1ca: {  	v4 =	vadd.s32 v2, v4;
	_ =	sdelay $0x2  }
0x1cb: {  	[tilespmem:s9], [sflag:$0x3] =	stream.indirect_vreg.gather [hbm4b:s0+s5], $0x80, v5, vm0, $0xb8;
	[tilespmem:$0x1CE80] =	vst v63  }
0x1cc: {  	_ = 	snop  }
0x1cd: {  	[tilespmem:s14], [sflag:$0x3] =	stream.indirect_vreg.gather [hbm4b:s0+s5], $0x80, v4, vm0, $0xb8;
	[tilespmem:$0x1CE80] =	vst v63  }
0x1ce: {  	v4 =	vld [tilespmem:$0x4B40];
	_ =	sdelay $0x4  }
0x1cf: {  	v5 =	vshll.u32 v4, $0x1  }
0x1d0: {  	v4 =	vand.u32 $0x7, v4;
	v5 =	vand.u32 $0xFFFFFFF0, v5  }
0x1d1: {  	v4 =	vor.u32 v4, v5  }
0x1d2: {  	v5 =	vperm.xlane v4, v1;
	_ =	sdelay $0x1  }
0x1d3: {  	v4 =	vperm.xlane v4, v3;
	v5 =	vadd.s32 v2, v5;
	_ =	sdelay $0x1  }
0x1d4: {  	v4 =	vadd.s32 v2, v4;
	_ =	sdelay $0x2  }
0x1d5: {  	[tilespmem:s15], [sflag:$0x3] =	stream.indirect_vreg.gather [hbm4b:s0+s5], $0x80, v5, vm0, $0xb8;
	[tilespmem:$0x1CE80] =	vst v63  }
0x1d6: {  	_ = 	snop  }
0x1d7: {  	[tilespmem:s16], [sflag:$0x3] =	stream.indirect_vreg.gather [hbm4b:s0+s5], $0x80, v4, vm0, $0xb8;
	[tilespmem:$0x1CE80] =	vst v63  }
0x1d8: {  	v4 =	vld [tilespmem:$0x4B50];
	_ =	sdelay $0x4  }
0x1d9: {  	v5 =	vshll.u32 v4, $0x1  }
0x1da: {  	v4 =	vand.u32 $0x7, v4;
	v5 =	vand.u32 $0xFFFFFFF0, v5  }
0x1db: {  	v4 =	vor.u32 v4, v5  }
0x1dc: {  	v5 =	vperm.xlane v4, v1;
	_ =	sdelay $0x1  }
0x1dd: {  	v4 =	vperm.xlane v4, v3;
	v5 =	vadd.s32 v2, v5;
	_ =	sdelay $0x1  }
0x1de: {  	v4 =	vadd.s32 v2, v4;
	_ =	sdelay $0x2  }
0x1df: {  	[tilespmem:s17], [sflag:$0x3] =	stream.indirect_vreg.gather [hbm4b:s0+s5], $0x80, v5, vm0, $0xb8;
	[tilespmem:$0x1CE80] =	vst v63  }
0x1e0: {  	_ = 	snop  }
0x1e1: {  	[tilespmem:s19], [sflag:$0x3] =	stream.indirect_vreg.gather [hbm4b:s0+s5], $0x80, v4, vm0, $0xb8;
	[tilespmem:$0x1CE80] =	vst v63  }
0x1e2: {  	v4 =	vld [tilespmem:$0x4B60];
	_ =	sdelay $0x4  }
0x1e3: {  	v5 =	vshll.u32 v4, $0x1  }
0x1e4: {  	v4 =	vand.u32 $0x7, v4;
	v5 =	vand.u32 $0xFFFFFFF0, v5  }
0x1e5: {  	v4 =	vor.u32 v4, v5  }
0x1e6: {  	v5 =	vperm.xlane v4, v1;
	_ =	sdelay $0x1  }
0x1e7: {  	v4 =	vperm.xlane v4, v3;
	v5 =	vadd.s32 v2, v5;
	_ =	sdelay $0x1  }
0x1e8: {  	v4 =	vadd.s32 v2, v4;
	_ =	sdelay $0x2  }
0x1e9: {  	[tilespmem:s20], [sflag:$0x3] =	stream.indirect_vreg.gather [hbm4b:s0+s5], $0x80, v5, vm0, $0xb8;
	[tilespmem:$0x1CE80] =	vst v63  }
0x1ea: {  	_ = 	snop  }
0x1eb: {  	[tilespmem:s28], [sflag:$0x3] =	stream.indirect_vreg.gather [hbm4b:s0+s5], $0x80, v4, vm0, $0xb8;
	[tilespmem:$0x1CE80] =	vst v63  }
0x1ec: {  	v4 =	vld [tilespmem:$0x4B70];
	_ =	sdelay $0x4  }
0x1ed: {  	v5 =	vshll.u32 v4, $0x1  }
0x1ee: {  	v4 =	vand.u32 $0x7, v4;
	v5 =	vand.u32 $0xFFFFFFF0, v5  }
0x1ef: {  	v4 =	vor.u32 v4, v5  }
0x1f0: {  	v5 =	vperm.xlane v4, v1;
	_ =	sdelay $0x1  }
0x1f1: {  	v4 =	vperm.xlane v4, v3;
	v5 =	vadd.s32 v2, v5;
	_ =	sdelay $0x1  }
0x1f2: {  	v4 =	vadd.s32 v2, v4;
	_ =	sdelay $0x2  }
0x1f3: {  	[tilespmem:s29], [sflag:$0x3] =	stream.indirect_vreg.gather [hbm4b:s0+s5], $0x80, v5, vm0, $0xb8;
	[tilespmem:$0x1CE80] =	vst v63  }
0x1f4: {  	_ = 	snop  }
0x1f5: {  	[tilespmem:s30], [sflag:$0x3] =	stream.indirect_vreg.gather [hbm4b:s0+s5], $0x80, v4, vm0, $0xb8;
	[tilespmem:$0x1CE80] =	vst v63  }
0x1f6: {  	_ =	swait.ge [sflag:s22], $0x8000  }
0x1f7: {  	[sflag:s22] =	ssyncset.done $0x0  }
0x1f8: {  	s11 =	rddreg [dreg:$0xb];
	[sflag:s22] =	ssyncadd.s32 $0xFFFF8000  }
0x1f9: {  	[hbm4b:s11+s5] =	stream.linear.scatter [tilespmem:s12], [sflag:$0x5], $0x8000, $0x38;
	[tilespmem:$0x1CE80] =	vst v63  }
0x1fa: {  	v4 =	vld [tilespmem:$0x4780];
	_ =	sdelay $0x7  }
0x1fb: {  	v4 =	vld.idx.msk [tilespmem:v4+s18+$0x0], $0xffff;
	_ =	sdelay $0x6  }
0x1fc: {  	v5 =	vld [tilespmem:$0x4380]  }
0x1fd: {  	v4 =	vld.idx.msk [tilespmem:v4+s25+$0x0], $0xffff  }
0x1fe: {  	v39 =	vld [tilespmem:$0x4790];
	_ =	sdelay $0x3  }
0x1ff: {  	v4 =	vadd.s32 v4, v5  }
0x200: {  	vm1 =	vlt.s32 v4, $0x3FFF  }
0x201: {  	v4 =	vnsel vm1, $0x3FFF, v4  }
0x202: {  	[tilespmem:$0x4B80] =	vst v4  }
0x203: {  	v5 =	vld.idx.msk [tilespmem:v39+s18+$0x0], $0xffff;
	_ =	sdelay $0x6  }
0x204: {  	v40 =	vld [tilespmem:$0x4390]  }
0x205: {  	v5 =	vld.idx.msk [tilespmem:v5+s25+$0x0], $0xffff  }
0x206: {  	v41 =	vld [tilespmem:$0x47A0];
	_ =	sdelay $0x3  }
0x207: {  	v5 =	vadd.s32 v5, v40  }
0x208: {  	vm1 =	vlt.s32 v5, $0x3FFF  }
0x209: {  	v5 =	vnsel vm1, $0x3FFF, v5  }
0x20a: {  	[tilespmem:$0x4B90] =	vst v5  }
0x20b: {  	v5 =	vld.idx.msk [tilespmem:v41+s18+$0x0], $0xffff;
	_ =	sdelay $0x6  }
0x20c: {  	v42 =	vld [tilespmem:$0x43A0]  }
0x20d: {  	v5 =	vld.idx.msk [tilespmem:v5+s25+$0x0], $0xffff  }
0x20e: {  	v43 =	vld [tilespmem:$0x47B0];
	_ =	sdelay $0x3  }
0x20f: {  	v5 =	vadd.s32 v5, v42  }
0x210: {  	vm1 =	vlt.s32 v5, $0x3FFF  }
0x211: {  	v5 =	vnsel vm1, $0x3FFF, v5  }
0x212: {  	[tilespmem:$0x4BA0] =	vst v5  }
0x213: {  	v5 =	vld.idx.msk [tilespmem:v43+s18+$0x0], $0xffff;
	_ =	sdelay $0x6  }
0x214: {  	v44 =	vld [tilespmem:$0x43B0]  }
0x215: {  	v5 =	vld.idx.msk [tilespmem:v5+s25+$0x0], $0xffff  }
0x216: {  	v45 =	vld [tilespmem:$0x47C0];
	_ =	sdelay $0x3  }
0x217: {  	v5 =	vadd.s32 v5, v44  }
0x218: {  	vm1 =	vlt.s32 v5, $0x3FFF  }
0x219: {  	v5 =	vnsel vm1, $0x3FFF, v5  }
0x21a: {  	[tilespmem:$0x4BB0] =	vst v5  }
0x21b: {  	v5 =	vld.idx.msk [tilespmem:v45+s18+$0x0], $0xffff;
	_ =	sdelay $0x6  }
0x21c: {  	v46 =	vld [tilespmem:$0x43C0]  }
0x21d: {  	v5 =	vld.idx.msk [tilespmem:v5+s25+$0x0], $0xffff  }
0x21e: {  	v47 =	vld [tilespmem:$0x47D0];
	_ =	sdelay $0x3  }
0x21f: {  	v5 =	vadd.s32 v5, v46  }
0x220: {  	vm1 =	vlt.s32 v5, $0x3FFF  }
0x221: {  	v5 =	vnsel vm1, $0x3FFF, v5  }
0x222: {  	[tilespmem:$0x4BC0] =	vst v5  }
0x223: {  	v5 =	vld.idx.msk [tilespmem:v47+s18+$0x0], $0xffff;
	_ =	sdelay $0x6  }
0x224: {  	v48 =	vld [tilespmem:$0x43D0]  }
0x225: {  	v5 =	vld.idx.msk [tilespmem:v5+s25+$0x0], $0xffff  }
0x226: {  	v49 =	vld [tilespmem:$0x47E0];
	_ =	sdelay $0x3  }
0x227: {  	v5 =	vadd.s32 v5, v48  }
0x228: {  	vm1 =	vlt.s32 v5, $0x3FFF  }
0x229: {  	v5 =	vnsel vm1, $0x3FFF, v5  }
0x22a: {  	[tilespmem:$0x4BD0] =	vst v5  }
0x22b: {  	v5 =	vld.idx.msk [tilespmem:v49+s18+$0x0], $0xffff;
	_ =	sdelay $0x6  }
0x22c: {  	v50 =	vld [tilespmem:$0x43E0]  }
0x22d: {  	v5 =	vld.idx.msk [tilespmem:v5+s25+$0x0], $0xffff  }
0x22e: {  	v51 =	vld [tilespmem:$0x47F0];
	_ =	sdelay $0x3  }
0x22f: {  	v5 =	vadd.s32 v5, v50  }
0x230: {  	vm1 =	vlt.s32 v5, $0x3FFF  }
0x231: {  	v5 =	vnsel vm1, $0x3FFF, v5  }
0x232: {  	[tilespmem:$0x4BE0] =	vst v5  }
0x233: {  	v5 =	vld.idx.msk [tilespmem:v51+s18+$0x0], $0xffff;
	_ =	sdelay $0x6  }
0x234: {  	v52 =	vld [tilespmem:$0x43F0]  }
0x235: {  	v5 =	vld.idx.msk [tilespmem:v5+s25+$0x0], $0xffff;
	_ =	sdelay $0x1  }
0x236: {  	v53 =	vshll.u32 v4, $0x1  }
0x237: {  	v4 =	vand.u32 $0x7, v4;
	v7 =	vand.u32 $0xFFFFFFF0, v53  }
0x238: {  	v4 =	vor.u32 v4, v7  }
0x239: {  	v54 =	vperm.xlane v4, v1;
	v5 =	vadd.s32 v5, v52  }
0x23a: {  	vm1 =	vlt.s32 v5, $0x3FFF  }
0x23b: {  	v4 =	vperm.xlane v4, v3;
	v6 =	vadd.s32 v2, v54;
	v5 =	vnsel vm1, $0x3FFF, v5  }
0x23c: {  	[tilespmem:$0x4BF0] =	vst v5  }
0x23d: {  	v4 =	vadd.s32 v2, v4;
	_ =	swait.ge [sflag:s24], $0x8000  }
0x23e: {  	[sflag:s24] =	ssyncset.done $0x0  }
0x23f: {  	[sflag:s24] =	ssyncadd.s32 $0xFFFF8000  }
0x240: {  	[tilespmem:s31], [sflag:$0x1] =	stream.indirect_vreg.gather [hbm4b:s0+s5], $0x80, v6, vm0, $0xb8;
	[tilespmem:$0x1CE80] =	vst v63  }
0x241: {  	_ = 	snop  }
0x242: {  	[tilespmem:s13], [sflag:$0x1] =	stream.indirect_vreg.gather [hbm4b:s0+s5], $0x80, v4, vm0, $0xb8;
	[tilespmem:$0x1CE80] =	vst v63  }
0x243: {  	v4 =	vld [tilespmem:$0x4B90];
	_ =	sdelay $0x4  }
0x244: {  	v5 =	vshll.u32 v4, $0x1  }
0x245: {  	v4 =	vand.u32 $0x7, v4;
	v5 =	vand.u32 $0xFFFFFFF0, v5  }
0x246: {  	v4 =	vor.u32 v4, v5  }
0x247: {  	v5 =	vperm.xlane v4, v1;
	_ =	sdelay $0x1  }
0x248: {  	v4 =	vperm.xlane v4, v3;
	v5 =	vadd.s32 v2, v5;
	_ =	sdelay $0x1  }
0x249: {  	v4 =	vadd.s32 v2, v4;
	_ =	sdelay $0x1  }
0x24a: {  	s11 =	simm.s32 $0x5E80  }
0x24b: {  	[tilespmem:s11], [sflag:$0x1] =	stream.indirect_vreg.gather [hbm4b:s0+s5], $0x80, v5, vm0, $0xb8;
	[tilespmem:$0x1CE80] =	vst v63  }
0x24c: {  	s11 =	simm.s32 $0x6680  }
0x24d: {  	[tilespmem:s11], [sflag:$0x1] =	stream.indirect_vreg.gather [hbm4b:s0+s5], $0x80, v4, vm0, $0xb8;
	[tilespmem:$0x1CE80] =	vst v63  }
0x24e: {  	v4 =	vld [tilespmem:$0x4BA0];
	_ =	sdelay $0x4  }
0x24f: {  	v5 =	vshll.u32 v4, $0x1  }
0x250: {  	v4 =	vand.u32 $0x7, v4;
	v5 =	vand.u32 $0xFFFFFFF0, v5  }
0x251: {  	v4 =	vor.u32 v4, v5  }
0x252: {  	v5 =	vperm.xlane v4, v1;
	_ =	sdelay $0x1  }
0x253: {  	v4 =	vperm.xlane v4, v3;
	v5 =	vadd.s32 v2, v5;
	_ =	sdelay $0x1  }
0x254: {  	v4 =	vadd.s32 v2, v4;
	_ =	sdelay $0x1  }
0x255: {  	s11 =	simm.s32 $0x6E80  }
0x256: {  	[tilespmem:s11], [sflag:$0x1] =	stream.indirect_vreg.gather [hbm4b:s0+s5], $0x80, v5, vm0, $0xb8;
	[tilespmem:$0x1CE80] =	vst v63  }
0x257: {  	s11 =	simm.s32 $0x7680  }
0x258: {  	[tilespmem:s11], [sflag:$0x1] =	stream.indirect_vreg.gather [hbm4b:s0+s5], $0x80, v4, vm0, $0xb8;
	[tilespmem:$0x1CE80] =	vst v63  }
0x259: {  	v4 =	vld [tilespmem:$0x4BB0];
	_ =	sdelay $0x4  }
0x25a: {  	v5 =	vshll.u32 v4, $0x1  }
0x25b: {  	v4 =	vand.u32 $0x7, v4;
	v5 =	vand.u32 $0xFFFFFFF0, v5  }
0x25c: {  	v4 =	vor.u32 v4, v5  }
0x25d: {  	v5 =	vperm.xlane v4, v1;
	_ =	sdelay $0x1  }
0x25e: {  	v4 =	vperm.xlane v4, v3;
	v5 =	vadd.s32 v2, v5;
	_ =	sdelay $0x1  }
0x25f: {  	v4 =	vadd.s32 v2, v4;
	_ =	sdelay $0x1  }
0x260: {  	s11 =	simm.s32 $0x7E80  }
0x261: {  	[tilespmem:s11], [sflag:$0x1] =	stream.indirect_vreg.gather [hbm4b:s0+s5], $0x80, v5, vm0, $0xb8;
	[tilespmem:$0x1CE80] =	vst v63  }
0x262: {  	s11 =	simm.s32 $0x8680  }
0x263: {  	[tilespmem:s11], [sflag:$0x1] =	stream.indirect_vreg.gather [hbm4b:s0+s5], $0x80, v4, vm0, $0xb8;
	[tilespmem:$0x1CE80] =	vst v63  }
0x264: {  	v4 =	vld [tilespmem:$0x4BC0];
	_ =	sdelay $0x4  }
0x265: {  	v5 =	vshll.u32 v4, $0x1  }
0x266: {  	v4 =	vand.u32 $0x7, v4;
	v5 =	vand.u32 $0xFFFFFFF0, v5  }
0x267: {  	v4 =	vor.u32 v4, v5  }
0x268: {  	v5 =	vperm.xlane v4, v1;
	_ =	sdelay $0x1  }
0x269: {  	v4 =	vperm.xlane v4, v3;
	v5 =	vadd.s32 v2, v5;
	_ =	sdelay $0x1  }
0x26a: {  	v4 =	vadd.s32 v2, v4;
	_ =	sdelay $0x1  }
0x26b: {  	s11 =	simm.s32 $0x8E80  }
0x26c: {  	[tilespmem:s11], [sflag:$0x1] =	stream.indirect_vreg.gather [hbm4b:s0+s5], $0x80, v5, vm0, $0xb8;
	[tilespmem:$0x1CE80] =	vst v63  }
0x26d: {  	s11 =	simm.s32 $0x9680  }
0x26e: {  	[tilespmem:s11], [sflag:$0x1] =	stream.indirect_vreg.gather [hbm4b:s0+s5], $0x80, v4, vm0, $0xb8;
	[tilespmem:$0x1CE80] =	vst v63  }
0x26f: {  	v4 =	vld [tilespmem:$0x4BD0];
	_ =	sdelay $0x4  }
0x270: {  	v5 =	vshll.u32 v4, $0x1  }
0x271: {  	v4 =	vand.u32 $0x7, v4;
	v5 =	vand.u32 $0xFFFFFFF0, v5  }
0x272: {  	v4 =	vor.u32 v4, v5  }
0x273: {  	v5 =	vperm.xlane v4, v1;
	_ =	sdelay $0x1  }
0x274: {  	v4 =	vperm.xlane v4, v3;
	v5 =	vadd.s32 v2, v5;
	_ =	sdelay $0x1  }
0x275: {  	v4 =	vadd.s32 v2, v4;
	_ =	sdelay $0x1  }
0x276: {  	s11 =	simm.s32 $0x9E80  }
0x277: {  	[tilespmem:s11], [sflag:$0x1] =	stream.indirect_vreg.gather [hbm4b:s0+s5], $0x80, v5, vm0, $0xb8;
	[tilespmem:$0x1CE80] =	vst v63  }
0x278: {  	s11 =	simm.s32 $0xA680  }
0x279: {  	[tilespmem:s11], [sflag:$0x1] =	stream.indirect_vreg.gather [hbm4b:s0+s5], $0x80, v4, vm0, $0xb8;
	[tilespmem:$0x1CE80] =	vst v63  }
0x27a: {  	v4 =	vld [tilespmem:$0x4BE0];
	_ =	sdelay $0x4  }
0x27b: {  	v5 =	vshll.u32 v4, $0x1  }
0x27c: {  	v4 =	vand.u32 $0x7, v4;
	v5 =	vand.u32 $0xFFFFFFF0, v5  }
0x27d: {  	v4 =	vor.u32 v4, v5  }
0x27e: {  	v5 =	vperm.xlane v4, v1;
	_ =	sdelay $0x1  }
0x27f: {  	v4 =	vperm.xlane v4, v3;
	v5 =	vadd.s32 v2, v5;
	_ =	sdelay $0x1  }
0x280: {  	v4 =	vadd.s32 v2, v4;
	_ =	sdelay $0x1  }
0x281: {  	s11 =	simm.s32 $0xAE80  }
0x282: {  	[tilespmem:s11], [sflag:$0x1] =	stream.indirect_vreg.gather [hbm4b:s0+s5], $0x80, v5, vm0, $0xb8;
	[tilespmem:$0x1CE80] =	vst v63  }
0x283: {  	s11 =	simm.s32 $0xB680  }
0x284: {  	[tilespmem:s11], [sflag:$0x1] =	stream.indirect_vreg.gather [hbm4b:s0+s5], $0x80, v4, vm0, $0xb8;
	[tilespmem:$0x1CE80] =	vst v63  }
0x285: {  	v4 =	vld [tilespmem:$0x4BF0];
	_ =	sdelay $0x4  }
0x286: {  	v5 =	vshll.u32 v4, $0x1  }
0x287: {  	v4 =	vand.u32 $0x7, v4;
	v5 =	vand.u32 $0xFFFFFFF0, v5  }
0x288: {  	v4 =	vor.u32 v4, v5  }
0x289: {  	v5 =	vperm.xlane v4, v1;
	_ =	sdelay $0x1  }
0x28a: {  	v4 =	vperm.xlane v4, v3;
	v5 =	vadd.s32 v2, v5;
	_ =	sdelay $0x1  }
0x28b: {  	v4 =	vadd.s32 v2, v4;
	_ =	sdelay $0x1  }
0x28c: {  	s11 =	simm.s32 $0xBE80  }
0x28d: {  	[tilespmem:s11], [sflag:$0x1] =	stream.indirect_vreg.gather [hbm4b:s0+s5], $0x80, v5, vm0, $0xb8;
	[tilespmem:$0x1CE80] =	vst v63  }
0x28e: {  	s11 =	simm.s32 $0xC680  }
0x28f: {  	[tilespmem:s11], [sflag:$0x1] =	stream.indirect_vreg.gather [hbm4b:s0+s5], $0x80, v4, vm0, $0xb8;
	[tilespmem:$0x1CE80] =	vst v63  }
0x290: {  	_ =	swait.ge [sflag:s23], $0x8000  }
0x291: {  	[sflag:s23] =	ssyncset.done $0x0  }
0x292: {  	s11 =	rddreg [dreg:$0xc];
	[sflag:s23] =	ssyncadd.s32 $0xFFFF8000  }
0x293: {  	[hbm4b:s11+s5] =	stream.linear.scatter [tilespmem:s1], [sflag:$0x6], $0x8000, $0x38;
	[tilespmem:$0x1CE80] =	vst v63  }
0x294: {  	v4 =	vld [tilespmem:$0x4800];
	_ =	sdelay $0x7  }
0x295: {  	v4 =	vld.idx.msk [tilespmem:v4+s18+$0x0], $0xffff;
	_ =	sdelay $0x6  }
0x296: {  	v5 =	vld [tilespmem:$0x4400]  }
0x297: {  	v4 =	vld.idx.msk [tilespmem:v4+s25+$0x0], $0xffff  }
0x298: {  	v55 =	vld [tilespmem:$0x4810];
	_ =	sdelay $0x3  }
0x299: {  	v4 =	vadd.s32 v4, v5  }
0x29a: {  	vm1 =	vlt.s32 v4, $0x3FFF  }
0x29b: {  	v4 =	vnsel vm1, $0x3FFF, v4  }
0x29c: {  	[tilespmem:$0x4C00] =	vst v4  }
0x29d: {  	v5 =	vld.idx.msk [tilespmem:v55+s18+$0x0], $0xffff;
	_ =	sdelay $0x6  }
0x29e: {  	v56 =	vld [tilespmem:$0x4410]  }
0x29f: {  	v5 =	vld.idx.msk [tilespmem:v5+s25+$0x0], $0xffff  }
0x2a0: {  	v57 =	vld [tilespmem:$0x4820];
	_ =	sdelay $0x3  }
0x2a1: {  	v5 =	vadd.s32 v5, v56  }
0x2a2: {  	vm1 =	vlt.s32 v5, $0x3FFF  }
0x2a3: {  	v5 =	vnsel vm1, $0x3FFF, v5  }
0x2a4: {  	[tilespmem:$0x4C10] =	vst v5  }
0x2a5: {  	v5 =	vld.idx.msk [tilespmem:v57+s18+$0x0], $0xffff;
	_ =	sdelay $0x6  }
0x2a6: {  	v58 =	vld [tilespmem:$0x4420]  }
0x2a7: {  	v5 =	vld.idx.msk [tilespmem:v5+s25+$0x0], $0xffff  }
0x2a8: {  	v59 =	vld [tilespmem:$0x4830];
	_ =	sdelay $0x3  }
0x2a9: {  	v5 =	vadd.s32 v5, v58  }
0x2aa: {  	vm1 =	vlt.s32 v5, $0x3FFF  }
0x2ab: {  	v5 =	vnsel vm1, $0x3FFF, v5  }
0x2ac: {  	[tilespmem:$0x4C20] =	vst v5  }
0x2ad: {  	v5 =	vld.idx.msk [tilespmem:v59+s18+$0x0], $0xffff;
	_ =	sdelay $0x6  }
0x2ae: {  	v60 =	vld [tilespmem:$0x4430]  }
0x2af: {  	v5 =	vld.idx.msk [tilespmem:v5+s25+$0x0], $0xffff  }
0x2b0: {  	v61 =	vld [tilespmem:$0x4840];
	_ =	sdelay $0x3  }
0x2b1: {  	v5 =	vadd.s32 v5, v60  }
0x2b2: {  	vm1 =	vlt.s32 v5, $0x3FFF  }
0x2b3: {  	v5 =	vnsel vm1, $0x3FFF, v5  }
0x2b4: {  	[tilespmem:$0x4C30] =	vst v5  }
0x2b5: {  	v5 =	vld.idx.msk [tilespmem:v61+s18+$0x0], $0xffff;
	_ =	sdelay $0x6  }
0x2b6: {  	v62 =	vld [tilespmem:$0x4440]  }
0x2b7: {  	v5 =	vld.idx.msk [tilespmem:v5+s25+$0x0], $0xffff  }
0x2b8: {  	v63 =	vld [tilespmem:$0x4850];
	_ =	sdelay $0x3  }
0x2b9: {  	v5 =	vadd.s32 v5, v62  }
0x2ba: {  	vm1 =	vlt.s32 v5, $0x3FFF  }
0x2bb: {  	v5 =	vnsel vm1, $0x3FFF, v5  }
0x2bc: {  	[tilespmem:$0x4C40] =	vst v5  }
0x2bd: {  	v5 =	vld.idx.msk [tilespmem:v63+s18+$0x0], $0xffff;
	_ =	sdelay $0x6  }
0x2be: {  	v9 =	vld [tilespmem:$0x4450]  }
0x2bf: {  	v5 =	vld.idx.msk [tilespmem:v5+s25+$0x0], $0xffff  }
0x2c0: {  	v10 =	vld [tilespmem:$0x4860];
	_ =	sdelay $0x3  }
0x2c1: {  	v5 =	vadd.s32 v5, v9  }
0x2c2: {  	vm1 =	vlt.s32 v5, $0x3FFF  }
0x2c3: {  	v5 =	vnsel vm1, $0x3FFF, v5  }
0x2c4: {  	[tilespmem:$0x4C50] =	vst v5  }
0x2c5: {  	v5 =	vld.idx.msk [tilespmem:v10+s18+$0x0], $0xffff;
	_ =	sdelay $0x6  }
0x2c6: {  	v11 =	vld [tilespmem:$0x4460]  }
0x2c7: {  	v5 =	vld.idx.msk [tilespmem:v5+s25+$0x0], $0xffff  }
0x2c8: {  	v12 =	vld [tilespmem:$0x4870];
	_ =	sdelay $0x3  }
0x2c9: {  	v5 =	vadd.s32 v5, v11  }
0x2ca: {  	vm1 =	vlt.s32 v5, $0x3FFF  }
0x2cb: {  	v5 =	vnsel vm1, $0x3FFF, v5  }
0x2cc: {  	[tilespmem:$0x4C60] =	vst v5  }
0x2cd: {  	v5 =	vld.idx.msk [tilespmem:v12+s18+$0x0], $0xffff;
	_ =	sdelay $0x6  }
0x2ce: {  	v13 =	vld [tilespmem:$0x4470]  }
0x2cf: {  	v5 =	vld.idx.msk [tilespmem:v5+s25+$0x0], $0xffff;
	_ =	sdelay $0x1  }
0x2d0: {  	v14 =	vshll.u32 v4, $0x1  }
0x2d1: {  	v4 =	vand.u32 $0x7, v4;
	v7 =	vand.u32 $0xFFFFFFF0, v14  }
0x2d2: {  	v4 =	vor.u32 v4, v7  }
0x2d3: {  	v15 =	vperm.xlane v4, v1;
	v5 =	vadd.s32 v5, v13  }
0x2d4: {  	vm1 =	vlt.s32 v5, $0x3FFF  }
0x2d5: {  	v4 =	vperm.xlane v4, v3;
	v6 =	vadd.s32 v2, v15;
	v5 =	vnsel vm1, $0x3FFF, v5  }
0x2d6: {  	[tilespmem:$0x4C70] =	vst v5  }
0x2d7: {  	v4 =	vadd.s32 v2, v4;
	_ =	swait.ge [sflag:s7], $0x8000  }
0x2d8: {  	[sflag:s7] =	ssyncset.done $0x0  }
0x2d9: {  	[sflag:s7] =	ssyncadd.s32 $0xFFFF8000  }
0x2da: {  	[tilespmem:s12], [sflag:$0x2] =	stream.indirect_vreg.gather [hbm4b:s0+s5], $0x80, v6, vm0, $0xb8;
	[tilespmem:$0x1CE80] =	vst v63  }
0x2db: {  	s11 =	simm.s32 $0xD680  }
0x2dc: {  	[tilespmem:s11], [sflag:$0x2] =	stream.indirect_vreg.gather [hbm4b:s0+s5], $0x80, v4, vm0, $0xb8;
	[tilespmem:$0x1CE80] =	vst v63  }
0x2dd: {  	v4 =	vld [tilespmem:$0x4C10];
	_ =	sdelay $0x4  }
0x2de: {  	v5 =	vshll.u32 v4, $0x1  }
0x2df: {  	v4 =	vand.u32 $0x7, v4;
	v5 =	vand.u32 $0xFFFFFFF0, v5  }
0x2e0: {  	v4 =	vor.u32 v4, v5  }
0x2e1: {  	v5 =	vperm.xlane v4, v1;
	_ =	sdelay $0x1  }
0x2e2: {  	v4 =	vperm.xlane v4, v3;
	v5 =	vadd.s32 v2, v5;
	_ =	sdelay $0x1  }
0x2e3: {  	v4 =	vadd.s32 v2, v4;
	_ =	sdelay $0x1  }
0x2e4: {  	s11 =	simm.s32 $0xDE80  }
0x2e5: {  	[tilespmem:s11], [sflag:$0x2] =	stream.indirect_vreg.gather [hbm4b:s0+s5], $0x80, v5, vm0, $0xb8;
	[tilespmem:$0x1CE80] =	vst v63  }
0x2e6: {  	s11 =	simm.s32 $0xE680  }
0x2e7: {  	[tilespmem:s11], [sflag:$0x2] =	stream.indirect_vreg.gather [hbm4b:s0+s5], $0x80, v4, vm0, $0xb8;
	[tilespmem:$0x1CE80] =	vst v63  }
0x2e8: {  	v4 =	vld [tilespmem:$0x4C20];
	_ =	sdelay $0x4  }
0x2e9: {  	v5 =	vshll.u32 v4, $0x1  }
0x2ea: {  	v4 =	vand.u32 $0x7, v4;
	v5 =	vand.u32 $0xFFFFFFF0, v5  }
0x2eb: {  	v4 =	vor.u32 v4, v5  }
0x2ec: {  	v5 =	vperm.xlane v4, v1;
	_ =	sdelay $0x1  }
0x2ed: {  	v4 =	vperm.xlane v4, v3;
	v5 =	vadd.s32 v2, v5;
	_ =	sdelay $0x1  }
0x2ee: {  	v4 =	vadd.s32 v2, v4;
	_ =	sdelay $0x1  }
0x2ef: {  	s11 =	simm.s32 $0xEE80  }
0x2f0: {  	[tilespmem:s11], [sflag:$0x2] =	stream.indirect_vreg.gather [hbm4b:s0+s5], $0x80, v5, vm0, $0xb8;
	[tilespmem:$0x1CE80] =	vst v63  }
0x2f1: {  	s11 =	simm.s32 $0xF680  }
0x2f2: {  	[tilespmem:s11], [sflag:$0x2] =	stream.indirect_vreg.gather [hbm4b:s0+s5], $0x80, v4, vm0, $0xb8;
	[tilespmem:$0x1CE80] =	vst v63  }
0x2f3: {  	v4 =	vld [tilespmem:$0x4C30];
	_ =	sdelay $0x4  }
0x2f4: {  	v5 =	vshll.u32 v4, $0x1  }
0x2f5: {  	v4 =	vand.u32 $0x7, v4;
	v5 =	vand.u32 $0xFFFFFFF0, v5  }
0x2f6: {  	v4 =	vor.u32 v4, v5  }
0x2f7: {  	v5 =	vperm.xlane v4, v1;
	_ =	sdelay $0x1  }
0x2f8: {  	v4 =	vperm.xlane v4, v3;
	v5 =	vadd.s32 v2, v5;
	_ =	sdelay $0x1  }
0x2f9: {  	v4 =	vadd.s32 v2, v4;
	_ =	sdelay $0x1  }
0x2fa: {  	s11 =	simm.s32 $0xFE80  }
0x2fb: {  	[tilespmem:s11], [sflag:$0x2] =	stream.indirect_vreg.gather [hbm4b:s0+s5], $0x80, v5, vm0, $0xb8;
	[tilespmem:$0x1CE80] =	vst v63  }
0x2fc: {  	s11 =	simm.s32 $0x10680  }
0x2fd: {  	[tilespmem:s11], [sflag:$0x2] =	stream.indirect_vreg.gather [hbm4b:s0+s5], $0x80, v4, vm0, $0xb8;
	[tilespmem:$0x1CE80] =	vst v63  }
0x2fe: {  	v4 =	vld [tilespmem:$0x4C40];
	_ =	sdelay $0x4  }
0x2ff: {  	v5 =	vshll.u32 v4, $0x1  }
0x300: {  	v4 =	vand.u32 $0x7, v4;
	v5 =	vand.u32 $0xFFFFFFF0, v5  }
0x301: {  	v4 =	vor.u32 v4, v5  }
0x302: {  	v5 =	vperm.xlane v4, v1;
	_ =	sdelay $0x1  }
0x303: {  	v4 =	vperm.xlane v4, v3;
	v5 =	vadd.s32 v2, v5;
	_ =	sdelay $0x1  }
0x304: {  	v4 =	vadd.s32 v2, v4;
	_ =	sdelay $0x1  }
0x305: {  	s11 =	simm.s32 $0x10E80  }
0x306: {  	[tilespmem:s11], [sflag:$0x2] =	stream.indirect_vreg.gather [hbm4b:s0+s5], $0x80, v5, vm0, $0xb8;
	[tilespmem:$0x1CE80] =	vst v63  }
0x307: {  	s11 =	simm.s32 $0x11680  }
0x308: {  	[tilespmem:s11], [sflag:$0x2] =	stream.indirect_vreg.gather [hbm4b:s0+s5], $0x80, v4, vm0, $0xb8;
	[tilespmem:$0x1CE80] =	vst v63  }
0x309: {  	v4 =	vld [tilespmem:$0x4C50];
	_ =	sdelay $0x4  }
0x30a: {  	v5 =	vshll.u32 v4, $0x1  }
0x30b: {  	v4 =	vand.u32 $0x7, v4;
	v5 =	vand.u32 $0xFFFFFFF0, v5  }
0x30c: {  	v4 =	vor.u32 v4, v5  }
0x30d: {  	v5 =	vperm.xlane v4, v1;
	_ =	sdelay $0x1  }
0x30e: {  	v4 =	vperm.xlane v4, v3;
	v5 =	vadd.s32 v2, v5;
	_ =	sdelay $0x1  }
0x30f: {  	v4 =	vadd.s32 v2, v4;
	_ =	sdelay $0x1  }
0x310: {  	s11 =	simm.s32 $0x11E80  }
0x311: {  	[tilespmem:s11], [sflag:$0x2] =	stream.indirect_vreg.gather [hbm4b:s0+s5], $0x80, v5, vm0, $0xb8;
	[tilespmem:$0x1CE80] =	vst v63  }
0x312: {  	s11 =	simm.s32 $0x12680  }
0x313: {  	[tilespmem:s11], [sflag:$0x2] =	stream.indirect_vreg.gather [hbm4b:s0+s5], $0x80, v4, vm0, $0xb8;
	[tilespmem:$0x1CE80] =	vst v63  }
0x314: {  	v4 =	vld [tilespmem:$0x4C60];
	_ =	sdelay $0x4  }
0x315: {  	v5 =	vshll.u32 v4, $0x1  }
0x316: {  	v4 =	vand.u32 $0x7, v4;
	v5 =	vand.u32 $0xFFFFFFF0, v5  }
0x317: {  	v4 =	vor.u32 v4, v5  }
0x318: {  	v5 =	vperm.xlane v4, v1;
	_ =	sdelay $0x1  }
0x319: {  	v4 =	vperm.xlane v4, v3;
	v5 =	vadd.s32 v2, v5;
	_ =	sdelay $0x1  }
0x31a: {  	v4 =	vadd.s32 v2, v4;
	_ =	sdelay $0x1  }
0x31b: {  	s11 =	simm.s32 $0x12E80  }
0x31c: {  	[tilespmem:s11], [sflag:$0x2] =	stream.indirect_vreg.gather [hbm4b:s0+s5], $0x80, v5, vm0, $0xb8;
	[tilespmem:$0x1CE80] =	vst v63  }
0x31d: {  	s11 =	simm.s32 $0x13680  }
0x31e: {  	[tilespmem:s11], [sflag:$0x2] =	stream.indirect_vreg.gather [hbm4b:s0+s5], $0x80, v4, vm0, $0xb8;
	[tilespmem:$0x1CE80] =	vst v63  }
0x31f: {  	v4 =	vld [tilespmem:$0x4C70];
	_ =	sdelay $0x4  }
0x320: {  	v5 =	vshll.u32 v4, $0x1  }
0x321: {  	v4 =	vand.u32 $0x7, v4;
	v5 =	vand.u32 $0xFFFFFFF0, v5  }
0x322: {  	v4 =	vor.u32 v4, v5  }
0x323: {  	v5 =	vperm.xlane v4, v1;
	_ =	sdelay $0x1  }
0x324: {  	v4 =	vperm.xlane v4, v3;
	v5 =	vadd.s32 v2, v5;
	_ =	sdelay $0x1  }
0x325: {  	v4 =	vadd.s32 v2, v4;
	_ =	sdelay $0x1  }
0x326: {  	s11 =	simm.s32 $0x13E80  }
0x327: {  	[tilespmem:s11], [sflag:$0x2] =	stream.indirect_vreg.gather [hbm4b:s0+s5], $0x80, v5, vm0, $0xb8;
	[tilespmem:$0x1CE80] =	vst v63  }
0x328: {  	s11 =	simm.s32 $0x14680  }
0x329: {  	[tilespmem:s11], [sflag:$0x2] =	stream.indirect_vreg.gather [hbm4b:s0+s5], $0x80, v4, vm0, $0xb8;
	[tilespmem:$0x1CE80] =	vst v63  }
0x32a: {  	_ =	swait.ge [sflag:s21], $0x8000  }
0x32b: {  	[sflag:s21] =	ssyncset.done $0x0  }
0x32c: {  	s11 =	rddreg [dreg:$0xd];
	[sflag:s21] =	ssyncadd.s32 $0xFFFF8000  }
0x32d: {  	[hbm4b:s11+s5] =	stream.linear.scatter [tilespmem:s31], [sflag:$0x4], $0x8000, $0x38;
	[tilespmem:$0x1CE80] =	vst v63  }
0x32e: {  	v4 =	vld [tilespmem:$0x4880];
	_ =	sdelay $0x7  }
0x32f: {  	v4 =	vld.idx.msk [tilespmem:v4+s18+$0x0], $0xffff;
	_ =	sdelay $0x6  }
0x330: {  	v5 =	vld [tilespmem:$0x4480]  }
0x331: {  	v4 =	vld.idx.msk [tilespmem:v4+s25+$0x0], $0xffff  }
0x332: {  	v16 =	vld [tilespmem:$0x4890];
	_ =	sdelay $0x3  }
0x333: {  	v4 =	vadd.s32 v4, v5  }
0x334: {  	vm1 =	vlt.s32 v4, $0x3FFF  }
0x335: {  	v4 =	vnsel vm1, $0x3FFF, v4  }
0x336: {  	[tilespmem:$0x4C80] =	vst v4  }
0x337: {  	v5 =	vld.idx.msk [tilespmem:v16+s18+$0x0], $0xffff;
	_ =	sdelay $0x6  }
0x338: {  	v17 =	vld [tilespmem:$0x4490]  }
0x339: {  	v5 =	vld.idx.msk [tilespmem:v5+s25+$0x0], $0xffff  }
0x33a: {  	v18 =	vld [tilespmem:$0x48A0];
	_ =	sdelay $0x3  }
0x33b: {  	v5 =	vadd.s32 v5, v17  }
0x33c: {  	vm1 =	vlt.s32 v5, $0x3FFF  }
0x33d: {  	v5 =	vnsel vm1, $0x3FFF, v5  }
0x33e: {  	[tilespmem:$0x4C90] =	vst v5  }
0x33f: {  	v5 =	vld.idx.msk [tilespmem:v18+s18+$0x0], $0xffff;
	_ =	sdelay $0x6  }
0x340: {  	v19 =	vld [tilespmem:$0x44A0]  }
0x341: {  	v5 =	vld.idx.msk [tilespmem:v5+s25+$0x0], $0xffff  }
0x342: {  	v20 =	vld [tilespmem:$0x48B0];
	_ =	sdelay $0x3  }
0x343: {  	v5 =	vadd.s32 v5, v19  }
0x344: {  	vm1 =	vlt.s32 v5, $0x3FFF  }
0x345: {  	v5 =	vnsel vm1, $0x3FFF, v5  }
0x346: {  	[tilespmem:$0x4CA0] =	vst v5  }
0x347: {  	v5 =	vld.idx.msk [tilespmem:v20+s18+$0x0], $0xffff;
	_ =	sdelay $0x6  }
0x348: {  	v21 =	vld [tilespmem:$0x44B0]  }
0x349: {  	v5 =	vld.idx.msk [tilespmem:v5+s25+$0x0], $0xffff  }
0x34a: {  	v22 =	vld [tilespmem:$0x48C0];
	_ =	sdelay $0x3  }
0x34b: {  	v5 =	vadd.s32 v5, v21  }
0x34c: {  	vm1 =	vlt.s32 v5, $0x3FFF  }
0x34d: {  	v5 =	vnsel vm1, $0x3FFF, v5  }
0x34e: {  	[tilespmem:$0x4CB0] =	vst v5  }
0x34f: {  	v5 =	vld.idx.msk [tilespmem:v22+s18+$0x0], $0xffff;
	_ =	sdelay $0x6  }
0x350: {  	v23 =	vld [tilespmem:$0x44C0]  }
0x351: {  	v5 =	vld.idx.msk [tilespmem:v5+s25+$0x0], $0xffff  }
0x352: {  	v24 =	vld [tilespmem:$0x48D0];
	_ =	sdelay $0x3  }
0x353: {  	v5 =	vadd.s32 v5, v23  }
0x354: {  	vm1 =	vlt.s32 v5, $0x3FFF  }
0x355: {  	v5 =	vnsel vm1, $0x3FFF, v5  }
0x356: {  	[tilespmem:$0x4CC0] =	vst v5  }
0x357: {  	v5 =	vld.idx.msk [tilespmem:v24+s18+$0x0], $0xffff;
	_ =	sdelay $0x6  }
0x358: {  	v25 =	vld [tilespmem:$0x44D0]  }
0x359: {  	v5 =	vld.idx.msk [tilespmem:v5+s25+$0x0], $0xffff  }
0x35a: {  	v26 =	vld [tilespmem:$0x48E0];
	_ =	sdelay $0x3  }
0x35b: {  	v5 =	vadd.s32 v5, v25  }
0x35c: {  	vm1 =	vlt.s32 v5, $0x3FFF  }
0x35d: {  	v5 =	vnsel vm1, $0x3FFF, v5  }
0x35e: {  	[tilespmem:$0x4CD0] =	vst v5  }
0x35f: {  	v5 =	vld.idx.msk [tilespmem:v26+s18+$0x0], $0xffff;
	_ =	sdelay $0x6  }
0x360: {  	v27 =	vld [tilespmem:$0x44E0]  }
0x361: {  	v5 =	vld.idx.msk [tilespmem:v5+s25+$0x0], $0xffff  }
0x362: {  	v28 =	vld [tilespmem:$0x48F0];
	_ =	sdelay $0x3  }
0x363: {  	v5 =	vadd.s32 v5, v27  }
0x364: {  	vm1 =	vlt.s32 v5, $0x3FFF  }
0x365: {  	v5 =	vnsel vm1, $0x3FFF, v5  }
0x366: {  	[tilespmem:$0x4CE0] =	vst v5  }
0x367: {  	v5 =	vld.idx.msk [tilespmem:v28+s18+$0x0], $0xffff;
	_ =	sdelay $0x6  }
0x368: {  	v29 =	vld [tilespmem:$0x44F0]  }
0x369: {  	v5 =	vld.idx.msk [tilespmem:v5+s25+$0x0], $0xffff;
	_ =	sdelay $0x1  }
0x36a: {  	v30 =	vshll.u32 v4, $0x1  }
0x36b: {  	v4 =	vand.u32 $0x7, v4;
	v7 =	vand.u32 $0xFFFFFFF0, v30  }
0x36c: {  	v4 =	vor.u32 v4, v7  }
0x36d: {  	v31 =	vperm.xlane v4, v1;
	v5 =	vadd.s32 v5, v29  }
0x36e: {  	vm1 =	vlt.s32 v5, $0x3FFF  }
0x36f: {  	v4 =	vperm.xlane v4, v3;
	v6 =	vadd.s32 v2, v31;
	v5 =	vnsel vm1, $0x3FFF, v5  }
0x370: {  	[tilespmem:$0x4CF0] =	vst v5  }
0x371: {  	v4 =	vadd.s32 v2, v4;
	_ =	swait.ge [sflag:s8], $0x8000  }
0x372: {  	[sflag:s8] =	ssyncset.done $0x0  }
0x373: {  	[sflag:s8] =	ssyncadd.s32 $0xFFFF8000  }
0x374: {  	[tilespmem:s1], [sflag:$0x3] =	stream.indirect_vreg.gather [hbm4b:s0+s5], $0x80, v6, vm0, $0xb8;
	[tilespmem:$0x1CE80] =	vst v63  }
0x375: {  	_ = 	snop  }
0x376: {  	[tilespmem:s2], [sflag:$0x3] =	stream.indirect_vreg.gather [hbm4b:s0+s5], $0x80, v4, vm0, $0xb8;
	[tilespmem:$0x1CE80] =	vst v63  }
0x377: {  	v4 =	vld [tilespmem:$0x4C90];
	_ =	sdelay $0x4  }
0x378: {  	v5 =	vshll.u32 v4, $0x1  }
0x379: {  	v4 =	vand.u32 $0x7, v4;
	v5 =	vand.u32 $0xFFFFFFF0, v5  }
0x37a: {  	v4 =	vor.u32 v4, v5  }
0x37b: {  	v5 =	vperm.xlane v4, v1;
	_ =	sdelay $0x1  }
0x37c: {  	v4 =	vperm.xlane v4, v3;
	v5 =	vadd.s32 v2, v5;
	_ =	sdelay $0x1  }
0x37d: {  	v4 =	vadd.s32 v2, v4;
	_ =	sdelay $0x2  }
0x37e: {  	[tilespmem:s3], [sflag:$0x3] =	stream.indirect_vreg.gather [hbm4b:s0+s5], $0x80, v5, vm0, $0xb8;
	[tilespmem:$0x1CE80] =	vst v63  }
0x37f: {  	_ = 	snop  }
0x380: {  	[tilespmem:s4], [sflag:$0x3] =	stream.indirect_vreg.gather [hbm4b:s0+s5], $0x80, v4, vm0, $0xb8;
	[tilespmem:$0x1CE80] =	vst v63  }
0x381: {  	v4 =	vld [tilespmem:$0x4CA0];
	_ =	sdelay $0x4  }
0x382: {  	v5 =	vshll.u32 v4, $0x1  }
0x383: {  	v4 =	vand.u32 $0x7, v4;
	v5 =	vand.u32 $0xFFFFFFF0, v5  }
0x384: {  	v4 =	vor.u32 v4, v5  }
0x385: {  	v5 =	vperm.xlane v4, v1;
	_ =	sdelay $0x1  }
0x386: {  	v4 =	vperm.xlane v4, v3;
	v5 =	vadd.s32 v2, v5;
	_ =	sdelay $0x1  }
0x387: {  	v4 =	vadd.s32 v2, v4;
	_ =	sdelay $0x2  }
0x388: {  	[tilespmem:s6], [sflag:$0x3] =	stream.indirect_vreg.gather [hbm4b:s0+s5], $0x80, v5, vm0, $0xb8;
	[tilespmem:$0x1CE80] =	vst v63  }
0x389: {  	_ = 	snop  }
0x38a: {  	[tilespmem:s26], [sflag:$0x3] =	stream.indirect_vreg.gather [hbm4b:s0+s5], $0x80, v4, vm0, $0xb8;
	[tilespmem:$0x1CE80] =	vst v63  }
0x38b: {  	v4 =	vld [tilespmem:$0x4CB0];
	_ =	sdelay $0x4  }
0x38c: {  	v5 =	vshll.u32 v4, $0x1  }
0x38d: {  	v4 =	vand.u32 $0x7, v4;
	v5 =	vand.u32 $0xFFFFFFF0, v5  }
0x38e: {  	v4 =	vor.u32 v4, v5  }
0x38f: {  	v5 =	vperm.xlane v4, v1;
	_ =	sdelay $0x1  }
0x390: {  	v4 =	vperm.xlane v4, v3;
	v5 =	vadd.s32 v2, v5;
	_ =	sdelay $0x1  }
0x391: {  	v4 =	vadd.s32 v2, v4;
	_ =	sdelay $0x2  }
0x392: {  	[tilespmem:s9], [sflag:$0x3] =	stream.indirect_vreg.gather [hbm4b:s0+s5], $0x80, v5, vm0, $0xb8;
	[tilespmem:$0x1CE80] =	vst v63  }
0x393: {  	_ = 	snop  }
0x394: {  	[tilespmem:s14], [sflag:$0x3] =	stream.indirect_vreg.gather [hbm4b:s0+s5], $0x80, v4, vm0, $0xb8;
	[tilespmem:$0x1CE80] =	vst v63  }
0x395: {  	v4 =	vld [tilespmem:$0x4CC0];
	_ =	sdelay $0x4  }
0x396: {  	v5 =	vshll.u32 v4, $0x1  }
0x397: {  	v4 =	vand.u32 $0x7, v4;
	v5 =	vand.u32 $0xFFFFFFF0, v5  }
0x398: {  	v4 =	vor.u32 v4, v5  }
0x399: {  	v5 =	vperm.xlane v4, v1;
	_ =	sdelay $0x1  }
0x39a: {  	v4 =	vperm.xlane v4, v3;
	v5 =	vadd.s32 v2, v5;
	_ =	sdelay $0x1  }
0x39b: {  	v4 =	vadd.s32 v2, v4;
	_ =	sdelay $0x2  }
0x39c: {  	[tilespmem:s15], [sflag:$0x3] =	stream.indirect_vreg.gather [hbm4b:s0+s5], $0x80, v5, vm0, $0xb8;
	[tilespmem:$0x1CE80] =	vst v63  }
0x39d: {  	_ = 	snop  }
0x39e: {  	[tilespmem:s16], [sflag:$0x3] =	stream.indirect_vreg.gather [hbm4b:s0+s5], $0x80, v4, vm0, $0xb8;
	[tilespmem:$0x1CE80] =	vst v63  }
0x39f: {  	v4 =	vld [tilespmem:$0x4CD0];
	_ =	sdelay $0x4  }
0x3a0: {  	v5 =	vshll.u32 v4, $0x1  }
0x3a1: {  	v4 =	vand.u32 $0x7, v4;
	v5 =	vand.u32 $0xFFFFFFF0, v5  }
0x3a2: {  	v4 =	vor.u32 v4, v5  }
0x3a3: {  	v5 =	vperm.xlane v4, v1;
	_ =	sdelay $0x1  }
0x3a4: {  	v4 =	vperm.xlane v4, v3;
	v5 =	vadd.s32 v2, v5;
	_ =	sdelay $0x1  }
0x3a5: {  	v4 =	vadd.s32 v2, v4;
	_ =	sdelay $0x2  }
0x3a6: {  	[tilespmem:s17], [sflag:$0x3] =	stream.indirect_vreg.gather [hbm4b:s0+s5], $0x80, v5, vm0, $0xb8;
	[tilespmem:$0x1CE80] =	vst v63  }
0x3a7: {  	_ = 	snop  }
0x3a8: {  	[tilespmem:s19], [sflag:$0x3] =	stream.indirect_vreg.gather [hbm4b:s0+s5], $0x80, v4, vm0, $0xb8;
	[tilespmem:$0x1CE80] =	vst v63  }
0x3a9: {  	v4 =	vld [tilespmem:$0x4CE0];
	_ =	sdelay $0x4  }
0x3aa: {  	v5 =	vshll.u32 v4, $0x1  }
0x3ab: {  	v4 =	vand.u32 $0x7, v4;
	v5 =	vand.u32 $0xFFFFFFF0, v5  }
0x3ac: {  	v4 =	vor.u32 v4, v5  }
0x3ad: {  	v5 =	vperm.xlane v4, v1;
	_ =	sdelay $0x1  }
0x3ae: {  	v4 =	vperm.xlane v4, v3;
	v5 =	vadd.s32 v2, v5;
	_ =	sdelay $0x1  }
0x3af: {  	v4 =	vadd.s32 v2, v4;
	_ =	sdelay $0x2  }
0x3b0: {  	[tilespmem:s20], [sflag:$0x3] =	stream.indirect_vreg.gather [hbm4b:s0+s5], $0x80, v5, vm0, $0xb8;
	[tilespmem:$0x1CE80] =	vst v63  }
0x3b1: {  	_ = 	snop  }
0x3b2: {  	[tilespmem:s28], [sflag:$0x3] =	stream.indirect_vreg.gather [hbm4b:s0+s5], $0x80, v4, vm0, $0xb8;
	[tilespmem:$0x1CE80] =	vst v63  }
0x3b3: {  	v4 =	vld [tilespmem:$0x4CF0];
	_ =	sdelay $0x4  }
0x3b4: {  	v5 =	vshll.u32 v4, $0x1  }
0x3b5: {  	v4 =	vand.u32 $0x7, v4;
	v5 =	vand.u32 $0xFFFFFFF0, v5  }
0x3b6: {  	v4 =	vor.u32 v4, v5  }
0x3b7: {  	v5 =	vperm.xlane v4, v1;
	_ =	sdelay $0x1  }
0x3b8: {  	v4 =	vperm.xlane v4, v3;
	v5 =	vadd.s32 v2, v5;
	_ =	sdelay $0x1  }
0x3b9: {  	v4 =	vadd.s32 v2, v4;
	_ =	sdelay $0x2  }
0x3ba: {  	[tilespmem:s29], [sflag:$0x3] =	stream.indirect_vreg.gather [hbm4b:s0+s5], $0x80, v5, vm0, $0xb8;
	[tilespmem:$0x1CE80] =	vst v63  }
0x3bb: {  	_ = 	snop  }
0x3bc: {  	[tilespmem:s30], [sflag:$0x3] =	stream.indirect_vreg.gather [hbm4b:s0+s5], $0x80, v4, vm0, $0xb8;
	[tilespmem:$0x1CE80] =	vst v63  }
0x3bd: {  	_ =	swait.ge [sflag:s22], $0x8000  }
0x3be: {  	[sflag:s22] =	ssyncset.done $0x0  }
0x3bf: {  	s2 =	rddreg [dreg:$0xe];
	[sflag:s22] =	ssyncadd.s32 $0xFFFF8000  }
0x3c0: {  	[hbm4b:s2+s5] =	stream.linear.scatter [tilespmem:s12], [sflag:$0x5], $0x8000, $0x38;
	[tilespmem:$0x1CE80] =	vst v63  }
0x3c1: {  	v4 =	vld [tilespmem:$0x4900];
	_ =	sdelay $0x7  }
0x3c2: {  	v4 =	vld.idx.msk [tilespmem:v4+s18+$0x0], $0xffff;
	_ =	sdelay $0x6  }
0x3c3: {  	v5 =	vld [tilespmem:$0x4500]  }
0x3c4: {  	v4 =	vld.idx.msk [tilespmem:v4+s25+$0x0], $0xffff  }
0x3c5: {  	v32 =	vld [tilespmem:$0x4910];
	_ =	sdelay $0x3  }
0x3c6: {  	v4 =	vadd.s32 v4, v5  }
0x3c7: {  	vm1 =	vlt.s32 v4, $0x3FFF  }
0x3c8: {  	v4 =	vnsel vm1, $0x3FFF, v4  }
0x3c9: {  	[tilespmem:$0x4D00] =	vst v4  }
0x3ca: {  	v5 =	vld.idx.msk [tilespmem:v32+s18+$0x0], $0xffff;
	_ =	sdelay $0x6  }
0x3cb: {  	v33 =	vld [tilespmem:$0x4510]  }
0x3cc: {  	v5 =	vld.idx.msk [tilespmem:v5+s25+$0x0], $0xffff  }
0x3cd: {  	v34 =	vld [tilespmem:$0x4920];
	_ =	sdelay $0x3  }
0x3ce: {  	v5 =	vadd.s32 v5, v33  }
0x3cf: {  	vm1 =	vlt.s32 v5, $0x3FFF  }
0x3d0: {  	v5 =	vnsel vm1, $0x3FFF, v5  }
0x3d1: {  	[tilespmem:$0x4D10] =	vst v5  }
0x3d2: {  	v5 =	vld.idx.msk [tilespmem:v34+s18+$0x0], $0xffff;
	_ =	sdelay $0x6  }
0x3d3: {  	v35 =	vld [tilespmem:$0x4520]  }
0x3d4: {  	v5 =	vld.idx.msk [tilespmem:v5+s25+$0x0], $0xffff  }
0x3d5: {  	v36 =	vld [tilespmem:$0x4930];
	_ =	sdelay $0x3  }
0x3d6: {  	v5 =	vadd.s32 v5, v35  }
0x3d7: {  	vm1 =	vlt.s32 v5, $0x3FFF  }
0x3d8: {  	v5 =	vnsel vm1, $0x3FFF, v5  }
0x3d9: {  	[tilespmem:$0x4D20] =	vst v5  }
0x3da: {  	v5 =	vld.idx.msk [tilespmem:v36+s18+$0x0], $0xffff;
	_ =	sdelay $0x6  }
0x3db: {  	v37 =	vld [tilespmem:$0x4530]  }
0x3dc: {  	v5 =	vld.idx.msk [tilespmem:v5+s25+$0x0], $0xffff  }
0x3dd: {  	v38 =	vld [tilespmem:$0x4940];
	_ =	sdelay $0x3  }
0x3de: {  	v5 =	vadd.s32 v5, v37  }
0x3df: {  	vm1 =	vlt.s32 v5, $0x3FFF  }
0x3e0: {  	v5 =	vnsel vm1, $0x3FFF, v5  }
0x3e1: {  	[tilespmem:$0x4D30] =	vst v5  }
0x3e2: {  	v5 =	vld.idx.msk [tilespmem:v38+s18+$0x0], $0xffff;
	_ =	sdelay $0x6  }
0x3e3: {  	v39 =	vld [tilespmem:$0x4540]  }
0x3e4: {  	v5 =	vld.idx.msk [tilespmem:v5+s25+$0x0], $0xffff  }
0x3e5: {  	v40 =	vld [tilespmem:$0x4950];
	_ =	sdelay $0x3  }
0x3e6: {  	v5 =	vadd.s32 v5, v39  }
0x3e7: {  	vm1 =	vlt.s32 v5, $0x3FFF  }
0x3e8: {  	v5 =	vnsel vm1, $0x3FFF, v5  }
0x3e9: {  	[tilespmem:$0x4D40] =	vst v5  }
0x3ea: {  	v5 =	vld.idx.msk [tilespmem:v40+s18+$0x0], $0xffff;
	_ =	sdelay $0x6  }
0x3eb: {  	v41 =	vld [tilespmem:$0x4550]  }
0x3ec: {  	v5 =	vld.idx.msk [tilespmem:v5+s25+$0x0], $0xffff  }
0x3ed: {  	v42 =	vld [tilespmem:$0x4960];
	_ =	sdelay $0x3  }
0x3ee: {  	v5 =	vadd.s32 v5, v41  }
0x3ef: {  	vm1 =	vlt.s32 v5, $0x3FFF  }
0x3f0: {  	v5 =	vnsel vm1, $0x3FFF, v5  }
0x3f1: {  	[tilespmem:$0x4D50] =	vst v5  }
0x3f2: {  	v5 =	vld.idx.msk [tilespmem:v42+s18+$0x0], $0xffff;
	_ =	sdelay $0x6  }
0x3f3: {  	v43 =	vld [tilespmem:$0x4560]  }
0x3f4: {  	v5 =	vld.idx.msk [tilespmem:v5+s25+$0x0], $0xffff  }
0x3f5: {  	v44 =	vld [tilespmem:$0x4970];
	_ =	sdelay $0x3  }
0x3f6: {  	v5 =	vadd.s32 v5, v43  }
0x3f7: {  	vm1 =	vlt.s32 v5, $0x3FFF  }
0x3f8: {  	v5 =	vnsel vm1, $0x3FFF, v5  }
0x3f9: {  	[tilespmem:$0x4D60] =	vst v5  }
0x3fa: {  	v5 =	vld.idx.msk [tilespmem:v44+s18+$0x0], $0xffff;
	_ =	sdelay $0x6  }
0x3fb: {  	v45 =	vld [tilespmem:$0x4570]  }
0x3fc: {  	v5 =	vld.idx.msk [tilespmem:v5+s25+$0x0], $0xffff;
	_ =	sdelay $0x1  }
0x3fd: {  	v46 =	vshll.u32 v4, $0x1  }
0x3fe: {  	v4 =	vand.u32 $0x7, v4;
	v7 =	vand.u32 $0xFFFFFFF0, v46  }
0x3ff: {  	v4 =	vor.u32 v4, v7  }
0x400: {  	v47 =	vperm.xlane v4, v1;
	v5 =	vadd.s32 v5, v45  }
0x401: {  	vm1 =	vlt.s32 v5, $0x3FFF  }
0x402: {  	v4 =	vperm.xlane v4, v3;
	v6 =	vadd.s32 v2, v47;
	v5 =	vnsel vm1, $0x3FFF, v5  }
0x403: {  	[tilespmem:$0x4D70] =	vst v5  }
0x404: {  	v4 =	vadd.s32 v2, v4;
	_ =	swait.ge [sflag:s24], $0x8000  }
0x405: {  	[sflag:s24] =	ssyncset.done $0x0  }
0x406: {  	[sflag:s24] =	ssyncadd.s32 $0xFFFF8000  }
0x407: {  	[tilespmem:s31], [sflag:$0x1] =	stream.indirect_vreg.gather [hbm4b:s0+s5], $0x80, v6, vm0, $0xb8;
	[tilespmem:$0x1CE80] =	vst v63  }
0x408: {  	_ = 	snop  }
0x409: {  	[tilespmem:s13], [sflag:$0x1] =	stream.indirect_vreg.gather [hbm4b:s0+s5], $0x80, v4, vm0, $0xb8;
	[tilespmem:$0x1CE80] =	vst v63  }
0x40a: {  	v4 =	vld [tilespmem:$0x4D10];
	_ =	sdelay $0x4  }
0x40b: {  	v5 =	vshll.u32 v4, $0x1  }
0x40c: {  	v4 =	vand.u32 $0x7, v4;
	v5 =	vand.u32 $0xFFFFFFF0, v5  }
0x40d: {  	v4 =	vor.u32 v4, v5  }
0x40e: {  	v5 =	vperm.xlane v4, v1;
	_ =	sdelay $0x1  }
0x40f: {  	v4 =	vperm.xlane v4, v3;
	v5 =	vadd.s32 v2, v5;
	_ =	sdelay $0x1  }
0x410: {  	v4 =	vadd.s32 v2, v4;
	_ =	sdelay $0x1  }
0x411: {  	s11 =	simm.s32 $0x5E80  }
0x412: {  	[tilespmem:s11], [sflag:$0x1] =	stream.indirect_vreg.gather [hbm4b:s0+s5], $0x80, v5, vm0, $0xb8;
	[tilespmem:$0x1CE80] =	vst v63  }
0x413: {  	s13 =	simm.s32 $0x6680  }
0x414: {  	[tilespmem:s13], [sflag:$0x1] =	stream.indirect_vreg.gather [hbm4b:s0+s5], $0x80, v4, vm0, $0xb8;
	[tilespmem:$0x1CE80] =	vst v63  }
0x415: {  	v4 =	vld [tilespmem:$0x4D20];
	_ =	sdelay $0x4  }
0x416: {  	v5 =	vshll.u32 v4, $0x1  }
0x417: {  	v4 =	vand.u32 $0x7, v4;
	v5 =	vand.u32 $0xFFFFFFF0, v5  }
0x418: {  	v4 =	vor.u32 v4, v5  }
0x419: {  	v5 =	vperm.xlane v4, v1;
	_ =	sdelay $0x1  }
0x41a: {  	v4 =	vperm.xlane v4, v3;
	v5 =	vadd.s32 v2, v5;
	_ =	sdelay $0x1  }
0x41b: {  	v4 =	vadd.s32 v2, v4;
	_ =	sdelay $0x1  }
0x41c: {  	s11 =	simm.s32 $0x6E80  }
0x41d: {  	[tilespmem:s11], [sflag:$0x1] =	stream.indirect_vreg.gather [hbm4b:s0+s5], $0x80, v5, vm0, $0xb8;
	[tilespmem:$0x1CE80] =	vst v63  }
0x41e: {  	s13 =	simm.s32 $0x7680  }
0x41f: {  	[tilespmem:s13], [sflag:$0x1] =	stream.indirect_vreg.gather [hbm4b:s0+s5], $0x80, v4, vm0, $0xb8;
	[tilespmem:$0x1CE80] =	vst v63  }
0x420: {  	v4 =	vld [tilespmem:$0x4D30];
	_ =	sdelay $0x4  }
0x421: {  	v5 =	vshll.u32 v4, $0x1  }
0x422: {  	v4 =	vand.u32 $0x7, v4;
	v5 =	vand.u32 $0xFFFFFFF0, v5  }
0x423: {  	v4 =	vor.u32 v4, v5  }
0x424: {  	v5 =	vperm.xlane v4, v1;
	_ =	sdelay $0x1  }
0x425: {  	v4 =	vperm.xlane v4, v3;
	v5 =	vadd.s32 v2, v5;
	_ =	sdelay $0x1  }
0x426: {  	v4 =	vadd.s32 v2, v4;
	_ =	sdelay $0x1  }
0x427: {  	s11 =	simm.s32 $0x7E80  }
0x428: {  	[tilespmem:s11], [sflag:$0x1] =	stream.indirect_vreg.gather [hbm4b:s0+s5], $0x80, v5, vm0, $0xb8;
	[tilespmem:$0x1CE80] =	vst v63  }
0x429: {  	s13 =	simm.s32 $0x8680  }
0x42a: {  	[tilespmem:s13], [sflag:$0x1] =	stream.indirect_vreg.gather [hbm4b:s0+s5], $0x80, v4, vm0, $0xb8;
	[tilespmem:$0x1CE80] =	vst v63  }
0x42b: {  	v4 =	vld [tilespmem:$0x4D40];
	_ =	sdelay $0x4  }
0x42c: {  	v5 =	vshll.u32 v4, $0x1  }
0x42d: {  	v4 =	vand.u32 $0x7, v4;
	v5 =	vand.u32 $0xFFFFFFF0, v5  }
0x42e: {  	v4 =	vor.u32 v4, v5  }
0x42f: {  	v5 =	vperm.xlane v4, v1;
	_ =	sdelay $0x1  }
0x430: {  	v4 =	vperm.xlane v4, v3;
	v5 =	vadd.s32 v2, v5;
	_ =	sdelay $0x1  }
0x431: {  	v4 =	vadd.s32 v2, v4;
	_ =	sdelay $0x1  }
0x432: {  	s11 =	simm.s32 $0x8E80  }
0x433: {  	[tilespmem:s11], [sflag:$0x1] =	stream.indirect_vreg.gather [hbm4b:s0+s5], $0x80, v5, vm0, $0xb8;
	[tilespmem:$0x1CE80] =	vst v63  }
0x434: {  	s13 =	simm.s32 $0x9680  }
0x435: {  	[tilespmem:s13], [sflag:$0x1] =	stream.indirect_vreg.gather [hbm4b:s0+s5], $0x80, v4, vm0, $0xb8;
	[tilespmem:$0x1CE80] =	vst v63  }
0x436: {  	v4 =	vld [tilespmem:$0x4D50];
	_ =	sdelay $0x4  }
0x437: {  	v5 =	vshll.u32 v4, $0x1  }
0x438: {  	v4 =	vand.u32 $0x7, v4;
	v5 =	vand.u32 $0xFFFFFFF0, v5  }
0x439: {  	v4 =	vor.u32 v4, v5  }
0x43a: {  	v5 =	vperm.xlane v4, v1;
	_ =	sdelay $0x1  }
0x43b: {  	v4 =	vperm.xlane v4, v3;
	v5 =	vadd.s32 v2, v5;
	_ =	sdelay $0x1  }
0x43c: {  	v4 =	vadd.s32 v2, v4;
	_ =	sdelay $0x1  }
0x43d: {  	s11 =	simm.s32 $0x9E80  }
0x43e: {  	[tilespmem:s11], [sflag:$0x1] =	stream.indirect_vreg.gather [hbm4b:s0+s5], $0x80, v5, vm0, $0xb8;
	[tilespmem:$0x1CE80] =	vst v63  }
0x43f: {  	s13 =	simm.s32 $0xA680  }
0x440: {  	[tilespmem:s13], [sflag:$0x1] =	stream.indirect_vreg.gather [hbm4b:s0+s5], $0x80, v4, vm0, $0xb8;
	[tilespmem:$0x1CE80] =	vst v63  }
0x441: {  	v4 =	vld [tilespmem:$0x4D60];
	_ =	sdelay $0x4  }
0x442: {  	v5 =	vshll.u32 v4, $0x1  }
0x443: {  	v4 =	vand.u32 $0x7, v4;
	v5 =	vand.u32 $0xFFFFFFF0, v5  }
0x444: {  	v4 =	vor.u32 v4, v5  }
0x445: {  	v5 =	vperm.xlane v4, v1;
	_ =	sdelay $0x1  }
0x446: {  	v4 =	vperm.xlane v4, v3;
	v5 =	vadd.s32 v2, v5;
	_ =	sdelay $0x1  }
0x447: {  	v4 =	vadd.s32 v2, v4;
	_ =	sdelay $0x1  }
0x448: {  	s11 =	simm.s32 $0xAE80  }
0x449: {  	[tilespmem:s11], [sflag:$0x1] =	stream.indirect_vreg.gather [hbm4b:s0+s5], $0x80, v5, vm0, $0xb8;
	[tilespmem:$0x1CE80] =	vst v63  }
0x44a: {  	s13 =	simm.s32 $0xB680  }
0x44b: {  	[tilespmem:s13], [sflag:$0x1] =	stream.indirect_vreg.gather [hbm4b:s0+s5], $0x80, v4, vm0, $0xb8;
	[tilespmem:$0x1CE80] =	vst v63  }
0x44c: {  	v4 =	vld [tilespmem:$0x4D70];
	_ =	sdelay $0x4  }
0x44d: {  	v5 =	vshll.u32 v4, $0x1  }
0x44e: {  	v4 =	vand.u32 $0x7, v4;
	v5 =	vand.u32 $0xFFFFFFF0, v5  }
0x44f: {  	v4 =	vor.u32 v4, v5  }
0x450: {  	v5 =	vperm.xlane v4, v1;
	_ =	sdelay $0x1  }
0x451: {  	v4 =	vperm.xlane v4, v3;
	v5 =	vadd.s32 v2, v5;
	_ =	sdelay $0x1  }
0x452: {  	v4 =	vadd.s32 v2, v4;
	_ =	sdelay $0x1  }
0x453: {  	s11 =	simm.s32 $0xBE80  }
0x454: {  	[tilespmem:s11], [sflag:$0x1] =	stream.indirect_vreg.gather [hbm4b:s0+s5], $0x80, v5, vm0, $0xb8;
	[tilespmem:$0x1CE80] =	vst v63  }
0x455: {  	s13 =	simm.s32 $0xC680  }
0x456: {  	[tilespmem:s13], [sflag:$0x1] =	stream.indirect_vreg.gather [hbm4b:s0+s5], $0x80, v4, vm0, $0xb8;
	[tilespmem:$0x1CE80] =	vst v63  }
0x457: {  	_ =	swait.ge [sflag:s23], $0x8000  }
0x458: {  	[sflag:s23] =	ssyncset.done $0x0  }
0x459: {  	s2 =	rddreg [dreg:$0xf];
	[sflag:s23] =	ssyncadd.s32 $0xFFFF8000  }
0x45a: {  	[hbm4b:s2+s5] =	stream.linear.scatter [tilespmem:s1], [sflag:$0x6], $0x8000, $0x38;
	[tilespmem:$0x1CE80] =	vst v63  }
0x45b: {  	v4 =	vld [tilespmem:$0x4980];
	_ =	sdelay $0x7  }
0x45c: {  	v4 =	vld.idx.msk [tilespmem:v4+s18+$0x0], $0xffff;
	_ =	sdelay $0x6  }
0x45d: {  	v5 =	vld [tilespmem:$0x4580]  }
0x45e: {  	v4 =	vld.idx.msk [tilespmem:v4+s25+$0x0], $0xffff  }
0x45f: {  	v48 =	vld [tilespmem:$0x4990];
	_ =	sdelay $0x3  }
0x460: {  	v4 =	vadd.s32 v4, v5  }
0x461: {  	vm1 =	vlt.s32 v4, $0x3FFF  }
0x462: {  	v4 =	vnsel vm1, $0x3FFF, v4  }
0x463: {  	[tilespmem:$0x4D80] =	vst v4  }
0x464: {  	v5 =	vld.idx.msk [tilespmem:v48+s18+$0x0], $0xffff;
	_ =	sdelay $0x6  }
0x465: {  	v49 =	vld [tilespmem:$0x4590]  }
0x466: {  	v5 =	vld.idx.msk [tilespmem:v5+s25+$0x0], $0xffff  }
0x467: {  	v50 =	vld [tilespmem:$0x49A0];
	_ =	sdelay $0x3  }
0x468: {  	v5 =	vadd.s32 v5, v49  }
0x469: {  	vm1 =	vlt.s32 v5, $0x3FFF  }
0x46a: {  	v5 =	vnsel vm1, $0x3FFF, v5  }
0x46b: {  	[tilespmem:$0x4D90] =	vst v5  }
0x46c: {  	v5 =	vld.idx.msk [tilespmem:v50+s18+$0x0], $0xffff;
	_ =	sdelay $0x6  }
0x46d: {  	v51 =	vld [tilespmem:$0x45A0]  }
0x46e: {  	v5 =	vld.idx.msk [tilespmem:v5+s25+$0x0], $0xffff  }
0x46f: {  	v52 =	vld [tilespmem:$0x49B0];
	_ =	sdelay $0x3  }
0x470: {  	v5 =	vadd.s32 v5, v51  }
0x471: {  	vm1 =	vlt.s32 v5, $0x3FFF  }
0x472: {  	v5 =	vnsel vm1, $0x3FFF, v5  }
0x473: {  	[tilespmem:$0x4DA0] =	vst v5  }
0x474: {  	v5 =	vld.idx.msk [tilespmem:v52+s18+$0x0], $0xffff;
	_ =	sdelay $0x6  }
0x475: {  	v53 =	vld [tilespmem:$0x45B0]  }
0x476: {  	v5 =	vld.idx.msk [tilespmem:v5+s25+$0x0], $0xffff  }
0x477: {  	v54 =	vld [tilespmem:$0x49C0];
	_ =	sdelay $0x3  }
0x478: {  	v5 =	vadd.s32 v5, v53  }
0x479: {  	vm1 =	vlt.s32 v5, $0x3FFF  }
0x47a: {  	v5 =	vnsel vm1, $0x3FFF, v5  }
0x47b: {  	[tilespmem:$0x4DB0] =	vst v5  }
0x47c: {  	v5 =	vld.idx.msk [tilespmem:v54+s18+$0x0], $0xffff;
	_ =	sdelay $0x6  }
0x47d: {  	v55 =	vld [tilespmem:$0x45C0]  }
0x47e: {  	v5 =	vld.idx.msk [tilespmem:v5+s25+$0x0], $0xffff  }
0x47f: {  	v56 =	vld [tilespmem:$0x49D0];
	_ =	sdelay $0x3  }
0x480: {  	v5 =	vadd.s32 v5, v55  }
0x481: {  	vm1 =	vlt.s32 v5, $0x3FFF  }
0x482: {  	v5 =	vnsel vm1, $0x3FFF, v5  }
0x483: {  	[tilespmem:$0x4DC0] =	vst v5  }
0x484: {  	v5 =	vld.idx.msk [tilespmem:v56+s18+$0x0], $0xffff;
	_ =	sdelay $0x6  }
0x485: {  	v57 =	vld [tilespmem:$0x45D0]  }
0x486: {  	v5 =	vld.idx.msk [tilespmem:v5+s25+$0x0], $0xffff  }
0x487: {  	v58 =	vld [tilespmem:$0x49E0];
	_ =	sdelay $0x3  }
0x488: {  	v5 =	vadd.s32 v5, v57  }
0x489: {  	vm1 =	vlt.s32 v5, $0x3FFF  }
0x48a: {  	v5 =	vnsel vm1, $0x3FFF, v5  }
0x48b: {  	[tilespmem:$0x4DD0] =	vst v5  }
0x48c: {  	v5 =	vld.idx.msk [tilespmem:v58+s18+$0x0], $0xffff;
	_ =	sdelay $0x6  }
0x48d: {  	v59 =	vld [tilespmem:$0x45E0]  }
0x48e: {  	v5 =	vld.idx.msk [tilespmem:v5+s25+$0x0], $0xffff  }
0x48f: {  	v60 =	vld [tilespmem:$0x49F0];
	_ =	sdelay $0x3  }
0x490: {  	v5 =	vadd.s32 v5, v59  }
0x491: {  	vm1 =	vlt.s32 v5, $0x3FFF  }
0x492: {  	v5 =	vnsel vm1, $0x3FFF, v5  }
0x493: {  	[tilespmem:$0x4DE0] =	vst v5  }
0x494: {  	v5 =	vld.idx.msk [tilespmem:v60+s18+$0x0], $0xffff;
	_ =	sdelay $0x6  }
0x495: {  	v61 =	vld [tilespmem:$0x45F0]  }
0x496: {  	v5 =	vld.idx.msk [tilespmem:v5+s25+$0x0], $0xffff;
	_ =	sdelay $0x1  }
0x497: {  	v62 =	vshll.u32 v4, $0x1  }
0x498: {  	v4 =	vand.u32 $0x7, v4;
	v7 =	vand.u32 $0xFFFFFFF0, v62  }
0x499: {  	v4 =	vor.u32 v4, v7  }
0x49a: {  	v63 =	vperm.xlane v4, v1;
	v5 =	vadd.s32 v5, v61  }
0x49b: {  	vm1 =	vlt.s32 v5, $0x3FFF  }
0x49c: {  	v4 =	vperm.xlane v4, v3;
	v6 =	vadd.s32 v2, v63;
	v5 =	vnsel vm1, $0x3FFF, v5  }
0x49d: {  	[tilespmem:$0x4DF0] =	vst v5  }
0x49e: {  	v4 =	vadd.s32 v2, v4;
	_ =	swait.ge [sflag:s7], $0x8000  }
0x49f: {  	[sflag:s7] =	ssyncset.done $0x0  }
0x4a0: {  	[sflag:s7] =	ssyncadd.s32 $0xFFFF8000  }
0x4a1: {  	[tilespmem:s12], [sflag:$0x2] =	stream.indirect_vreg.gather [hbm4b:s0+s5], $0x80, v6, vm0, $0xb8;
	[tilespmem:$0x1CE80] =	vst v63  }
0x4a2: {  	s13 =	simm.s32 $0xD680  }
0x4a3: {  	[tilespmem:s13], [sflag:$0x2] =	stream.indirect_vreg.gather [hbm4b:s0+s5], $0x80, v4, vm0, $0xb8;
	[tilespmem:$0x1CE80] =	vst v63  }
0x4a4: {  	v4 =	vld [tilespmem:$0x4D90];
	_ =	sdelay $0x4  }
0x4a5: {  	v5 =	vshll.u32 v4, $0x1  }
0x4a6: {  	v4 =	vand.u32 $0x7, v4;
	v5 =	vand.u32 $0xFFFFFFF0, v5  }
0x4a7: {  	v4 =	vor.u32 v4, v5  }
0x4a8: {  	v5 =	vperm.xlane v4, v1;
	_ =	sdelay $0x1  }
0x4a9: {  	v4 =	vperm.xlane v4, v3;
	v5 =	vadd.s32 v2, v5;
	_ =	sdelay $0x1  }
0x4aa: {  	v4 =	vadd.s32 v2, v4;
	_ =	sdelay $0x1  }
0x4ab: {  	s2 =	simm.s32 $0xDE80  }
0x4ac: {  	[tilespmem:s2], [sflag:$0x2] =	stream.indirect_vreg.gather [hbm4b:s0+s5], $0x80, v5, vm0, $0xb8;
	[tilespmem:$0x1CE80] =	vst v63  }
0x4ad: {  	s11 =	simm.s32 $0xE680  }
0x4ae: {  	[tilespmem:s11], [sflag:$0x2] =	stream.indirect_vreg.gather [hbm4b:s0+s5], $0x80, v4, vm0, $0xb8;
	[tilespmem:$0x1CE80] =	vst v63  }
0x4af: {  	v4 =	vld [tilespmem:$0x4DA0];
	_ =	sdelay $0x4  }
0x4b0: {  	v5 =	vshll.u32 v4, $0x1  }
0x4b1: {  	v4 =	vand.u32 $0x7, v4;
	v5 =	vand.u32 $0xFFFFFFF0, v5  }
0x4b2: {  	v4 =	vor.u32 v4, v5  }
0x4b3: {  	v5 =	vperm.xlane v4, v1;
	_ =	sdelay $0x1  }
0x4b4: {  	v4 =	vperm.xlane v4, v3;
	v5 =	vadd.s32 v2, v5;
	_ =	sdelay $0x1  }
0x4b5: {  	v4 =	vadd.s32 v2, v4;
	_ =	sdelay $0x1  }
0x4b6: {  	s13 =	simm.s32 $0xEE80  }
0x4b7: {  	[tilespmem:s13], [sflag:$0x2] =	stream.indirect_vreg.gather [hbm4b:s0+s5], $0x80, v5, vm0, $0xb8;
	[tilespmem:$0x1CE80] =	vst v63  }
0x4b8: {  	s2 =	simm.s32 $0xF680  }
0x4b9: {  	[tilespmem:s2], [sflag:$0x2] =	stream.indirect_vreg.gather [hbm4b:s0+s5], $0x80, v4, vm0, $0xb8;
	[tilespmem:$0x1CE80] =	vst v63  }
0x4ba: {  	v4 =	vld [tilespmem:$0x4DB0];
	_ =	sdelay $0x4  }
0x4bb: {  	v5 =	vshll.u32 v4, $0x1  }
0x4bc: {  	v4 =	vand.u32 $0x7, v4;
	v5 =	vand.u32 $0xFFFFFFF0, v5  }
0x4bd: {  	v4 =	vor.u32 v4, v5  }
0x4be: {  	v5 =	vperm.xlane v4, v1;
	_ =	sdelay $0x1  }
0x4bf: {  	v4 =	vperm.xlane v4, v3;
	v5 =	vadd.s32 v2, v5;
	_ =	sdelay $0x1  }
0x4c0: {  	v4 =	vadd.s32 v2, v4;
	_ =	sdelay $0x1  }
0x4c1: {  	s11 =	simm.s32 $0xFE80  }
0x4c2: {  	[tilespmem:s11], [sflag:$0x2] =	stream.indirect_vreg.gather [hbm4b:s0+s5], $0x80, v5, vm0, $0xb8;
	[tilespmem:$0x1CE80] =	vst v63  }
0x4c3: {  	s13 =	simm.s32 $0x10680  }
0x4c4: {  	[tilespmem:s13], [sflag:$0x2] =	stream.indirect_vreg.gather [hbm4b:s0+s5], $0x80, v4, vm0, $0xb8;
	[tilespmem:$0x1CE80] =	vst v63  }
0x4c5: {  	v4 =	vld [tilespmem:$0x4DC0];
	_ =	sdelay $0x4  }
0x4c6: {  	v5 =	vshll.u32 v4, $0x1  }
0x4c7: {  	v4 =	vand.u32 $0x7, v4;
	v5 =	vand.u32 $0xFFFFFFF0, v5  }
0x4c8: {  	v4 =	vor.u32 v4, v5  }
0x4c9: {  	v5 =	vperm.xlane v4, v1;
	_ =	sdelay $0x1  }
0x4ca: {  	v4 =	vperm.xlane v4, v3;
	v5 =	vadd.s32 v2, v5;
	_ =	sdelay $0x1  }
0x4cb: {  	v4 =	vadd.s32 v2, v4;
	_ =	sdelay $0x1  }
0x4cc: {  	s2 =	simm.s32 $0x10E80  }
0x4cd: {  	[tilespmem:s2], [sflag:$0x2] =	stream.indirect_vreg.gather [hbm4b:s0+s5], $0x80, v5, vm0, $0xb8;
	[tilespmem:$0x1CE80] =	vst v63  }
0x4ce: {  	s11 =	simm.s32 $0x11680  }
0x4cf: {  	[tilespmem:s11], [sflag:$0x2] =	stream.indirect_vreg.gather [hbm4b:s0+s5], $0x80, v4, vm0, $0xb8;
	[tilespmem:$0x1CE80] =	vst v63  }
0x4d0: {  	v4 =	vld [tilespmem:$0x4DD0];
	_ =	sdelay $0x4  }
0x4d1: {  	v5 =	vshll.u32 v4, $0x1  }
0x4d2: {  	v4 =	vand.u32 $0x7, v4;
	v5 =	vand.u32 $0xFFFFFFF0, v5  }
0x4d3: {  	v4 =	vor.u32 v4, v5  }
0x4d4: {  	v5 =	vperm.xlane v4, v1;
	_ =	sdelay $0x1  }
0x4d5: {  	v4 =	vperm.xlane v4, v3;
	v5 =	vadd.s32 v2, v5;
	_ =	sdelay $0x1  }
0x4d6: {  	v4 =	vadd.s32 v2, v4;
	_ =	sdelay $0x1  }
0x4d7: {  	s13 =	simm.s32 $0x11E80  }
0x4d8: {  	[tilespmem:s13], [sflag:$0x2] =	stream.indirect_vreg.gather [hbm4b:s0+s5], $0x80, v5, vm0, $0xb8;
	[tilespmem:$0x1CE80] =	vst v63  }
0x4d9: {  	s2 =	simm.s32 $0x12680  }
0x4da: {  	[tilespmem:s2], [sflag:$0x2] =	stream.indirect_vreg.gather [hbm4b:s0+s5], $0x80, v4, vm0, $0xb8;
	[tilespmem:$0x1CE80] =	vst v63  }
0x4db: {  	v4 =	vld [tilespmem:$0x4DE0];
	_ =	sdelay $0x4  }
0x4dc: {  	v5 =	vshll.u32 v4, $0x1  }
0x4dd: {  	v4 =	vand.u32 $0x7, v4;
	v5 =	vand.u32 $0xFFFFFFF0, v5  }
0x4de: {  	v4 =	vor.u32 v4, v5  }
0x4df: {  	v5 =	vperm.xlane v4, v1;
	_ =	sdelay $0x1  }
0x4e0: {  	v4 =	vperm.xlane v4, v3;
	v5 =	vadd.s32 v2, v5;
	_ =	sdelay $0x1  }
0x4e1: {  	v4 =	vadd.s32 v2, v4;
	_ =	sdelay $0x1  }
0x4e2: {  	s11 =	simm.s32 $0x12E80  }
0x4e3: {  	[tilespmem:s11], [sflag:$0x2] =	stream.indirect_vreg.gather [hbm4b:s0+s5], $0x80, v5, vm0, $0xb8;
	[tilespmem:$0x1CE80] =	vst v63  }
0x4e4: {  	s13 =	simm.s32 $0x13680  }
0x4e5: {  	[tilespmem:s13], [sflag:$0x2] =	stream.indirect_vreg.gather [hbm4b:s0+s5], $0x80, v4, vm0, $0xb8;
	[tilespmem:$0x1CE80] =	vst v63  }
0x4e6: {  	v4 =	vld [tilespmem:$0x4DF0];
	_ =	sdelay $0x4  }
0x4e7: {  	v5 =	vshll.u32 v4, $0x1  }
0x4e8: {  	v4 =	vand.u32 $0x7, v4;
	v5 =	vand.u32 $0xFFFFFFF0, v5  }
0x4e9: {  	v4 =	vor.u32 v4, v5  }
0x4ea: {  	v5 =	vperm.xlane v4, v1;
	_ =	sdelay $0x1  }
0x4eb: {  	v4 =	vperm.xlane v4, v3;
	v5 =	vadd.s32 v2, v5;
	_ =	sdelay $0x1  }
0x4ec: {  	v4 =	vadd.s32 v2, v4;
	_ =	sdelay $0x1  }
0x4ed: {  	s2 =	simm.s32 $0x13E80  }
0x4ee: {  	[tilespmem:s2], [sflag:$0x2] =	stream.indirect_vreg.gather [hbm4b:s0+s5], $0x80, v5, vm0, $0xb8;
	[tilespmem:$0x1CE80] =	vst v63  }
0x4ef: {  	s11 =	simm.s32 $0x14680  }
0x4f0: {  	[tilespmem:s11], [sflag:$0x2] =	stream.indirect_vreg.gather [hbm4b:s0+s5], $0x80, v4, vm0, $0xb8;
	[tilespmem:$0x1CE80] =	vst v63  }
0x4f1: {  	_ =	swait.ge [sflag:s21], $0x8000  }
0x4f2: {  	[sflag:s21] =	ssyncset.done $0x0  }
0x4f3: {  	s13 =	rddreg [dreg:$0x10];
	[sflag:s21] =	ssyncadd.s32 $0xFFFF8000  }
0x4f4: {  	[hbm4b:s13+s5] =	stream.linear.scatter [tilespmem:s31], [sflag:$0x4], $0x8000, $0x38;
	[tilespmem:$0x1CE80] =	vst v63  }
0x4f5: {  	_ =	swait.ge [sflag:s22], $0x8000  }
0x4f6: {  	[sflag:s22] =	ssyncset.done $0x0  }
0x4f7: {  	s1 =	rddreg [dreg:$0x11];
	[sflag:s22] =	ssyncadd.s32 $0xFFFF8000  }
0x4f8: {  	[hbm4b:s1+s5] =	stream.linear.scatter [tilespmem:s12], [sflag:$0x5], $0x8000, $0x38;
	[tilespmem:$0x1CE80] =	vst v63  }
0x4f9: {  	s13 =	simm.s32 $0x4A00;
	s2 =	rddreg [dreg:$0x12]  }
0x4fa: {  	[hbm4b:s2+s5] =	stream.linear.scatter [tilespmem:s13], [sflag:$0x7], $0x400, $0x38;
	[tilespmem:$0x1CE80] =	vst v63  }
0x4fb: {  	_ =	swait.ge [sflag:s8], $0x8000  }
0x4fc: {  	[sflag:s8] =	ssyncset.done $0x0  }
0x4fd: {  	[sflag:s8] =	ssyncadd.s32 $0xFFFF8000  }
0x4fe: {  	_ =	swait.ge [sflag:s24], $0x8000  }
0x4ff: {  	[sflag:s24] =	ssyncset.done $0x0  }
0x500: {  	[sflag:s24] =	ssyncadd.s32 $0xFFFF8000  }
0x501: {  	_ =	swait.ge [sflag:s7], $0x8000  }
0x502: {  	[sflag:s7] =	ssyncset.done $0x0  }
0x503: {  	s2 =	simm.s32 $0x7;
	[sflag:s7] =	ssyncadd.s32 $0xFFFF8000  }
0x504: {  	_ =	swait.ge [sflag:s2], $0x400  }
0x505: {  	s10 =	sadd.s32 $0x1, s10;
	s13 =	rddreg [dreg:$0x13]  }
0x506: {  	p0 =	sne.s32 s10, s13  }
.Ltmp1:
0x507: {  	_ = 	snop;
	(pc) =	sbr.rel @p0 .LBB2_1-.Ltmp1, $3  }
0x508: {  	_ =	sdelay $0x1  }
0x509: {  	[sflag:s2] =	ssyncset.done $0x0  }
0x50a: {  	[sflag:s2] =	ssyncadd.s32 $0xFFFFFC00  }
0x50b: {  	_ =	sfence.sel $0x180000  }
0x50c: {  	[bflag:$0x0] =	sbarrier.arrive $0xFFFF  }
0x50d: {  	_ =	strace $0x90000047  }
0x50e: {  	s0 =	stileid.u32;
	[bflag:$0x2] =	sbarrier.arrive $0xFFFF  }
0x50f: {  	p0 =	sne.s32 s0, $0x0;
	s0 =	rddreg [dreg:$0x7]  }
0x510: {  	s0 =	sadd.s32 @!p0 $0x100000, s0  }
0x511: {  	[sflag:s0] =	ssyncadd.tile.s32 @!p0 $0x1;
	_ =	shalt  }
.Lfunc_end2:
_tile_overlayer_lowered:
.L_overlay_start_2:
0x512: {  	(tag) =	ssettag $0x2  }
0x513: {  	s0 =	rddreg [dreg:$0x0];
	s2 =	stileid.u32  }
0x514: {  	s1 =	rddreg [dreg:$0x1];
	p0 =	sne.s32 s2, $0x0  }
0x515: {  	s3 =	rddreg [dreg:$0x2];
	[bflag:$0x3] =	sbarrier.arrive $0xFFFF;
	s2 =	simm.s32 @!p0 $0x1C08  }
0x516: {  	[timem:s3], [sflag:s2] =	dma.local @!p0 [hbm:s0], s1  }
0x517: {  	s0 =	simm.s32 @!p0 $0x8  }
0x518: {  	_ =	swait.ge @!p0 [sflag:s0], s1  }
0x519: {  	s1 =	ssub.s32 @!p0 $0x0, s1;
	[sflag:s0] =	ssyncset.done @!p0 $0x0  }
0x51a: {  	[sflag:s0] =	ssyncadd.s32 @!p0 s1  }
0x51b: {  	[bflag:$0x3] =	sbarrier.arrive $0xFFFF  }
0x51c: {  	_ =	shalt  }

</sc_bundles>
